<compile_context>
chip_gen: v7x
topology: tpu7x:2x2x1
jax: 0.10.2.dev20260603
libtpu: 0.0.44.dev20260713+nightly
codegen_flags: <defaults>
</compile_context>

<pallas_src>
import functools

import jax
import jax.numpy as jnp
from jax import lax
from jax.experimental import pallas as pl
from jax.experimental.pallas import tpu as pltpu
from jax.experimental.pallas import tpu_sc as plsc

_LANES = 16
_NUM_CORES = 2
_NUM_SUBCORES = 16
_CHUNK = 8
_NBUF = 7


def _build_combine(T, H, K, C):
    NW = _NUM_CORES * _NUM_SUBCORES
    NB = _NBUF
    tok_per_w = T // NW
    nchunk = tok_per_w // C
    HV = H // _LANES
    PADW = K * C + _LANES
    mesh = plsc.VectorSubcoreMesh(core_axis_name="c", subcore_axis_name="s")

    @functools.partial(
        pl.kernel,
        out_type=jax.ShapeDtypeStruct((T, H), jnp.float32),
        mesh=mesh,
        scratch_types=[
            pltpu.VMEM((nchunk, K * C), jnp.int32),
            pltpu.VMEM((nchunk, PADW), jnp.float32),
            [pltpu.VMEM((K * C, H), jnp.float32)] * NB,
            [pltpu.SemaphoreType.DMA] * NB,
            [pltpu.SemaphoreType.DMA] * NB,
        ],
    )
    def combine(table_hbm, idx_hbm, w_hbm, out_hbm, idx_v, w_v,
                rows, sg, ss):
        wid = lax.axis_index("s") * _NUM_CORES + lax.axis_index("c")
        base = wid * tok_per_w

        pltpu.sync_copy(idx_hbm.at[wid], idx_v)

        def gather(j, p):
            return pltpu.make_async_copy(
                table_hbm.at[idx_v.at[j]], rows[p], sg[p])

        def scatter(j, p):
            return pltpu.make_async_copy(
                rows[p].at[pl.ds(0, C)],
                out_hbm.at[pl.ds(base + j * C, C)], ss[p])

        for p in range(NB):
            gather(p, p).start()
        pltpu.sync_copy(w_hbm.at[wid], w_v)

        def chunk_step(j, p):
            gather(j, p).wait()
            rbuf = rows[p]

            def per_token(c, _):
                wa = w_v[j, pl.ds(c, _LANES)]
                wb = w_v[j, pl.ds(C + c, _LANES)]
                w0 = wa[0]
                w1 = wb[0]

                @plsc.parallel_loop(0, HV, step=1, unroll=8)
                def per_h(h):
                    hs = pl.ds(h * _LANES, _LANES)
                    rbuf[c, hs] = w0 * rbuf[c, hs] + w1 * rbuf[C + c, hs]

                return 0

            lax.fori_loop(0, C, per_token, 0)
            scatter(j, p).start()

            @pl.when(j + NB < nchunk)
            def _refill():
                scatter(j, p).wait()
                gather(j + NB, p).start()

        def ring_body(jj, _):
            for p in range(NB):
                chunk_step(jj * NB + p, p)
            return 0

        nfull = nchunk // NB
        lax.fori_loop(0, nfull, ring_body, 0)
        for j in range(nfull * NB, nchunk):
            chunk_step(j, j % NB)
        for j in range(max(0, nchunk - NB), nchunk):
            scatter(j, j % NB).wait()

    return combine


def kernel(hidden_states, expert_indices, expert_weights, expert_outputs):
    B, S, H = hidden_states.shape
    E = expert_outputs.shape[0]
    K = expert_indices.shape[-1]
    T = B * S
    C = _CHUNK
    NW = _NUM_CORES * _NUM_SUBCORES
    nchunk = T // (NW * C)
    table = expert_outputs.reshape(E * T, H).astype(jnp.float32)
    tok = jnp.arange(T, dtype=jnp.int32)[:, None]
    row_idx = (expert_indices.reshape(T, K).astype(jnp.int32) * T + tok)
    row_idx = (row_idx.reshape(NW, nchunk, C, K).swapaxes(2, 3)
               .reshape(NW, nchunk, K * C))
    w = (expert_weights.reshape(NW, nchunk, C, K).astype(jnp.float32)
         .swapaxes(2, 3).reshape(NW, nchunk, K * C))
    w = jnp.pad(w, ((0, 0), (0, 0), (0, _LANES)))
    out = _build_combine(T, H, K, C)(table, row_idx, w)
    return out.reshape(B, S, H).astype(hidden_states.dtype)

# --- scband reference (transcript-rebuilt; emitter-appended) ---
"""Pipeline reference for scband-expert-mixer-64639257805147 (READ-ONLY COPY).

The authoritative reference and input builder live on the scoring server;
editing this copy changes nothing except your own understanding.
"""

import jax, jax.numpy as jnp
import numpy as np

B, S, H, E, K = 2, 2048, 1024, 8, 2

def setup_inputs(seed: int = 0) -> dict:
    key = jax.random.key(seed)
    k1, k2, k3, k4 = jax.random.split(key, 4)
    hidden_states = jax.random.normal(k1, (B, S, H), dtype=jnp.float32)
    expert_indices = jax.random.randint(k2, (B, S, K), 0, E)
    expert_weights = jax.random.uniform(k3, (B, S, K), dtype=jnp.float32)
    # expert_outputs dict {e: [B, S, H]} materialized as a stacked tensor [E, B, S, H]
    expert_outputs = jax.random.normal(k4, (E, B, S, H), dtype=jnp.float32)
    return {"hidden_states": hidden_states, "expert_indices": expert_indices,
            "expert_weights": expert_weights, "expert_outputs": expert_outputs}

def reference(hidden_states, expert_indices, expert_weights, expert_outputs):
    # Faithful to mix_expert_outputs when every selected expert index is present
    # in expert_outputs (indices in [0, E)): for each token,
    # out[b, s] = sum_e weights[b, s, e] * expert_outputs[idx[b, s, e]][b, s]
    stack = jnp.transpose(expert_outputs, (1, 2, 0, 3))  # [B, S, E, H]
    gathered = jnp.take_along_axis(stack, expert_indices[..., None], axis=2)  # [B, S, K, H]
    out = jnp.sum(gathered * expert_weights[..., None].astype(hidden_states.dtype), axis=2)
    return out

if __name__ == "__main__":
    import jax
    _d = setup_inputs()
    print(jax.jit(kernel)(*tuple(_d.values())))

</pallas_src>

<mosaic_0001>
#map = affine_map<(d0, d1) -> (0, 0)>
#map1 = affine_map<(d0, d1) -> (0, 0, 0)>
module attributes {stable_mosaic.version = 14 : i64} {
  func.func @combine(%arg0: i32, %arg1: i32, %arg2: memref<32768x1024xf32, #tpu.memory_space<hbm>>, %arg3: memref<32x16x16xi32, #tpu.memory_space<hbm>>, %arg4: memref<32x16x32xf32, #tpu.memory_space<hbm>>, %arg5: memref<4096x1024xf32, #tpu.memory_space<hbm>>, %arg6: memref<16x16xi32, #tpu.memory_space<vmem>>, %arg7: memref<16x32xf32, #tpu.memory_space<vmem>>, %arg8: memref<16x1024xf32, #tpu.memory_space<vmem>>, %arg9: memref<16x1024xf32, #tpu.memory_space<vmem>>, %arg10: memref<16x1024xf32, #tpu.memory_space<vmem>>, %arg11: memref<16x1024xf32, #tpu.memory_space<vmem>>, %arg12: memref<16x1024xf32, #tpu.memory_space<vmem>>, %arg13: memref<16x1024xf32, #tpu.memory_space<vmem>>, %arg14: memref<16x1024xf32, #tpu.memory_space<vmem>>, %arg15: memref<!tpu.dma_semaphore, #tpu.memory_space<semaphore_mem>>, %arg16: memref<!tpu.dma_semaphore, #tpu.memory_space<semaphore_mem>>, %arg17: memref<!tpu.dma_semaphore, #tpu.memory_space<semaphore_mem>>, %arg18: memref<!tpu.dma_semaphore, #tpu.memory_space<semaphore_mem>>, %arg19: memref<!tpu.dma_semaphore, #tpu.memory_space<semaphore_mem>>, %arg20: memref<!tpu.dma_semaphore, #tpu.memory_space<semaphore_mem>>, %arg21: memref<!tpu.dma_semaphore, #tpu.memory_space<semaphore_mem>>, %arg22: memref<!tpu.dma_semaphore, #tpu.memory_space<semaphore_mem>>, %arg23: memref<!tpu.dma_semaphore, #tpu.memory_space<semaphore_mem>>, %arg24: memref<!tpu.dma_semaphore, #tpu.memory_space<semaphore_mem>>, %arg25: memref<!tpu.dma_semaphore, #tpu.memory_space<semaphore_mem>>, %arg26: memref<!tpu.dma_semaphore, #tpu.memory_space<semaphore_mem>>, %arg27: memref<!tpu.dma_semaphore, #tpu.memory_space<semaphore_mem>>, %arg28: memref<!tpu.dma_semaphore, #tpu.memory_space<semaphore_mem>>) attributes {dimension_semantics = [#tpu.dimension_semantics<core_parallel>, #tpu.dimension_semantics<subcore_parallel>], iteration_bounds = array<i64: 2, 16>, scalar_prefetch = 0 : i64, scratch_operands = 23 : i64, tpu.core_type = #tpu.core_type<sc_vector_subcore>, window_params = [{transform_indices = #map}, {transform_indices = #map1}, {transform_indices = #map1}, {transform_indices = #map}]} {
    %mul3A = arith.constant 2 : i32
    %mul3A_0 = arith.muli %arg1, %mul3A : i32
    %add3A = arith.addi %mul3A_0, %arg0 : i32
    %mul3A_1 = arith.constant 128 : i32
    %mul3A_2 = arith.muli %add3A, %mul3A_1 : i32
    "tpu.region"() ({
      %run_scoped3A = tpu.sem_alloc : memref<!tpu.dma_semaphore, #tpu.memory_space<semaphore_mem>>
      %dma_start3A_192 = arith.constant 0 : i32
      %dma_start3A_193 = arith.constant 0 : i32
      %dma_start3A_194 = tpu.memref_slice %arg3[%add3A, %dma_start3A_192, %dma_start3A_193] : memref<32x16x16xi32, #tpu.memory_space<hbm>> -> memref<1x16x16xi32, #tpu.memory_space<hbm>>
      %dma_start3A_195 = tpu.memref_squeeze %dma_start3A_194 : memref<1x16x16xi32, #tpu.memory_space<hbm>> -> memref<16x16xi32, #tpu.memory_space<hbm>>
      %dma_start3A_196 = arith.constant 0 : i32
      %dma_start3A_197 = arith.constant 0 : i32
      %dma_start3A_198 = tpu.memref_slice %arg3[%add3A, %dma_start3A_196, %dma_start3A_197] : memref<32x16x16xi32, #tpu.memory_space<hbm>> -> memref<1x16x16xi32, #tpu.memory_space<hbm>>
      %dma_start3A_199 = tpu.memref_squeeze %dma_start3A_198 : memref<1x16x16xi32, #tpu.memory_space<hbm>> -> memref<16x16xi32, #tpu.memory_space<hbm>>
      tpu.enqueue_dma source(%dma_start3A_199 : memref<16x16xi32, #tpu.memory_space<hbm>>) target(%arg6 : memref<16x16xi32, #tpu.memory_space<vmem>>) target_semaphore(%run_scoped3A : memref<!tpu.dma_semaphore, #tpu.memory_space<semaphore_mem>>)
      %dma_wait3A_200 = arith.constant 0 : i32
      %dma_wait3A_201 = arith.constant 0 : i32
      %dma_wait3A_202 = tpu.memref_slice %arg3[%add3A, %dma_wait3A_200, %dma_wait3A_201] : memref<32x16x16xi32, #tpu.memory_space<hbm>> -> memref<1x16x16xi32, #tpu.memory_space<hbm>>
      %dma_wait3A_203 = tpu.memref_squeeze %dma_wait3A_202 : memref<1x16x16xi32, #tpu.memory_space<hbm>> -> memref<16x16xi32, #tpu.memory_space<hbm>>
      %dma_wait3A_204 = arith.constant 0 : i32
      %dma_wait3A_205 = arith.constant 0 : i32
      %dma_wait3A_206 = tpu.memref_slice %arg3[%add3A, %dma_wait3A_204, %dma_wait3A_205] : memref<32x16x16xi32, #tpu.memory_space<hbm>> -> memref<1x16x16xi32, #tpu.memory_space<hbm>>
      %dma_wait3A_207 = tpu.memref_squeeze %dma_wait3A_206 : memref<1x16x16xi32, #tpu.memory_space<hbm>> -> memref<16x16xi32, #tpu.memory_space<hbm>>
      tpu.wait_dma2 semaphore(%run_scoped3A : memref<!tpu.dma_semaphore, #tpu.memory_space<semaphore_mem>>) src(%dma_wait3A_207 : memref<16x16xi32, #tpu.memory_space<hbm>>) dst(%arg6 : memref<16x16xi32, #tpu.memory_space<vmem>>)
      tpu.yield
    }) : () -> ()
    %dma_start3A = arith.constant 0 : i32
    %dma_start3A_3 = arith.constant 0 : i32
    %dma_start3A_4 = tpu.memref_slice %arg6[%dma_start3A, %dma_start3A_3] : memref<16x16xi32, #tpu.memory_space<vmem>> -> memref<1x16xi32, #tpu.memory_space<vmem>>
    %dma_start3A_5 = tpu.memref_squeeze %dma_start3A_4 : memref<1x16xi32, #tpu.memory_space<vmem>> -> memref<16xi32, #tpu.memory_space<vmem>>
    %dma_start3A_6 = arith.constant 0 : i32
    %dma_start3A_7 = arith.constant 0 : i32
    %dma_start3A_8 = tpu.memref_slice %arg2[%dma_start3A_6, %dma_start3A_7] : memref<32768x1024xf32, #tpu.memory_space<hbm>> -> memref<32768x1024xf32, #tpu.memory_space<hbm>>
    tpu.enqueue_indirect_dma source(%dma_start3A_8 : memref<32768x1024xf32, #tpu.memory_space<hbm>>) target(%arg8 : memref<16x1024xf32, #tpu.memory_space<vmem>>) offsets(%dma_start3A_5 : memref<16xi32, #tpu.memory_space<vmem>>) semaphore(%arg15 : memref<!tpu.dma_semaphore, #tpu.memory_space<semaphore_mem>>)
    %dma_start3A_9 = arith.constant 1 : i32
    %dma_start3A_10 = arith.constant 0 : i32
    %dma_start3A_11 = tpu.memref_slice %arg6[%dma_start3A_9, %dma_start3A_10] : memref<16x16xi32, #tpu.memory_space<vmem>> -> memref<1x16xi32, #tpu.memory_space<vmem>>
    %dma_start3A_12 = tpu.memref_squeeze %dma_start3A_11 : memref<1x16xi32, #tpu.memory_space<vmem>> -> memref<16xi32, #tpu.memory_space<vmem>>
    %dma_start3A_13 = arith.constant 0 : i32
    %dma_start3A_14 = arith.constant 0 : i32
    %dma_start3A_15 = tpu.memref_slice %arg2[%dma_start3A_13, %dma_start3A_14] : memref<32768x1024xf32, #tpu.memory_space<hbm>> -> memref<32768x1024xf32, #tpu.memory_space<hbm>>
    tpu.enqueue_indirect_dma source(%dma_start3A_15 : memref<32768x1024xf32, #tpu.memory_space<hbm>>) target(%arg9 : memref<16x1024xf32, #tpu.memory_space<vmem>>) offsets(%dma_start3A_12 : memref<16xi32, #tpu.memory_space<vmem>>) semaphore(%arg16 : memref<!tpu.dma_semaphore, #tpu.memory_space<semaphore_mem>>)
    %dma_start3A_16 = arith.constant 2 : i32
    %dma_start3A_17 = arith.constant 0 : i32
    %dma_start3A_18 = tpu.memref_slice %arg6[%dma_start3A_16, %dma_start3A_17] : memref<16x16xi32, #tpu.memory_space<vmem>> -> memref<1x16xi32, #tpu.memory_space<vmem>>
    %dma_start3A_19 = tpu.memref_squeeze %dma_start3A_18 : memref<1x16xi32, #tpu.memory_space<vmem>> -> memref<16xi32, #tpu.memory_space<vmem>>
    %dma_start3A_20 = arith.constant 0 : i32
    %dma_start3A_21 = arith.constant 0 : i32
    %dma_start3A_22 = tpu.memref_slice %arg2[%dma_start3A_20, %dma_start3A_21] : memref<32768x1024xf32, #tpu.memory_space<hbm>> -> memref<32768x1024xf32, #tpu.memory_space<hbm>>
    tpu.enqueue_indirect_dma source(%dma_start3A_22 : memref<32768x1024xf32, #tpu.memory_space<hbm>>) target(%arg10 : memref<16x1024xf32, #tpu.memory_space<vmem>>) offsets(%dma_start3A_19 : memref<16xi32, #tpu.memory_space<vmem>>) semaphore(%arg17 : memref<!tpu.dma_semaphore, #tpu.memory_space<semaphore_mem>>)
    %dma_start3A_23 = arith.constant 3 : i32
    %dma_start3A_24 = arith.constant 0 : i32
    %dma_start3A_25 = tpu.memref_slice %arg6[%dma_start3A_23, %dma_start3A_24] : memref<16x16xi32, #tpu.memory_space<vmem>> -> memref<1x16xi32, #tpu.memory_space<vmem>>
    %dma_start3A_26 = tpu.memref_squeeze %dma_start3A_25 : memref<1x16xi32, #tpu.memory_space<vmem>> -> memref<16xi32, #tpu.memory_space<vmem>>
    %dma_start3A_27 = arith.constant 0 : i32
    %dma_start3A_28 = arith.constant 0 : i32
    %dma_start3A_29 = tpu.memref_slice %arg2[%dma_start3A_27, %dma_start3A_28] : memref<32768x1024xf32, #tpu.memory_space<hbm>> -> memref<32768x1024xf32, #tpu.memory_space<hbm>>
    tpu.enqueue_indirect_dma source(%dma_start3A_29 : memref<32768x1024xf32, #tpu.memory_space<hbm>>) target(%arg11 : memref<16x1024xf32, #tpu.memory_space<vmem>>) offsets(%dma_start3A_26 : memref<16xi32, #tpu.memory_space<vmem>>) semaphore(%arg18 : memref<!tpu.dma_semaphore, #tpu.memory_space<semaphore_mem>>)
    %dma_start3A_30 = arith.constant 4 : i32
    %dma_start3A_31 = arith.constant 0 : i32
    %dma_start3A_32 = tpu.memref_slice %arg6[%dma_start3A_30, %dma_start3A_31] : memref<16x16xi32, #tpu.memory_space<vmem>> -> memref<1x16xi32, #tpu.memory_space<vmem>>
    %dma_start3A_33 = tpu.memref_squeeze %dma_start3A_32 : memref<1x16xi32, #tpu.memory_space<vmem>> -> memref<16xi32, #tpu.memory_space<vmem>>
    %dma_start3A_34 = arith.constant 0 : i32
    %dma_start3A_35 = arith.constant 0 : i32
    %dma_start3A_36 = tpu.memref_slice %arg2[%dma_start3A_34, %dma_start3A_35] : memref<32768x1024xf32, #tpu.memory_space<hbm>> -> memref<32768x1024xf32, #tpu.memory_space<hbm>>
    tpu.enqueue_indirect_dma source(%dma_start3A_36 : memref<32768x1024xf32, #tpu.memory_space<hbm>>) target(%arg12 : memref<16x1024xf32, #tpu.memory_space<vmem>>) offsets(%dma_start3A_33 : memref<16xi32, #tpu.memory_space<vmem>>) semaphore(%arg19 : memref<!tpu.dma_semaphore, #tpu.memory_space<semaphore_mem>>)
    %dma_start3A_37 = arith.constant 5 : i32
    %dma_start3A_38 = arith.constant 0 : i32
    %dma_start3A_39 = tpu.memref_slice %arg6[%dma_start3A_37, %dma_start3A_38] : memref<16x16xi32, #tpu.memory_space<vmem>> -> memref<1x16xi32, #tpu.memory_space<vmem>>
    %dma_start3A_40 = tpu.memref_squeeze %dma_start3A_39 : memref<1x16xi32, #tpu.memory_space<vmem>> -> memref<16xi32, #tpu.memory_space<vmem>>
    %dma_start3A_41 = arith.constant 0 : i32
    %dma_start3A_42 = arith.constant 0 : i32
    %dma_start3A_43 = tpu.memref_slice %arg2[%dma_start3A_41, %dma_start3A_42] : memref<32768x1024xf32, #tpu.memory_space<hbm>> -> memref<32768x1024xf32, #tpu.memory_space<hbm>>
    tpu.enqueue_indirect_dma source(%dma_start3A_43 : memref<32768x1024xf32, #tpu.memory_space<hbm>>) target(%arg13 : memref<16x1024xf32, #tpu.memory_space<vmem>>) offsets(%dma_start3A_40 : memref<16xi32, #tpu.memory_space<vmem>>) semaphore(%arg20 : memref<!tpu.dma_semaphore, #tpu.memory_space<semaphore_mem>>)
    %dma_start3A_44 = arith.constant 6 : i32
    %dma_start3A_45 = arith.constant 0 : i32
    %dma_start3A_46 = tpu.memref_slice %arg6[%dma_start3A_44, %dma_start3A_45] : memref<16x16xi32, #tpu.memory_space<vmem>> -> memref<1x16xi32, #tpu.memory_space<vmem>>
    %dma_start3A_47 = tpu.memref_squeeze %dma_start3A_46 : memref<1x16xi32, #tpu.memory_space<vmem>> -> memref<16xi32, #tpu.memory_space<vmem>>
    %dma_start3A_48 = arith.constant 0 : i32
    %dma_start3A_49 = arith.constant 0 : i32
    %dma_start3A_50 = tpu.memref_slice %arg2[%dma_start3A_48, %dma_start3A_49] : memref<32768x1024xf32, #tpu.memory_space<hbm>> -> memref<32768x1024xf32, #tpu.memory_space<hbm>>
    tpu.enqueue_indirect_dma source(%dma_start3A_50 : memref<32768x1024xf32, #tpu.memory_space<hbm>>) target(%arg14 : memref<16x1024xf32, #tpu.memory_space<vmem>>) offsets(%dma_start3A_47 : memref<16xi32, #tpu.memory_space<vmem>>) semaphore(%arg21 : memref<!tpu.dma_semaphore, #tpu.memory_space<semaphore_mem>>)
    "tpu.region"() ({
      %run_scoped3A = tpu.sem_alloc : memref<!tpu.dma_semaphore, #tpu.memory_space<semaphore_mem>>
      %dma_start3A_192 = arith.constant 0 : i32
      %dma_start3A_193 = arith.constant 0 : i32
      %dma_start3A_194 = tpu.memref_slice %arg4[%add3A, %dma_start3A_192, %dma_start3A_193] : memref<32x16x32xf32, #tpu.memory_space<hbm>> -> memref<1x16x32xf32, #tpu.memory_space<hbm>>
      %dma_start3A_195 = tpu.memref_squeeze %dma_start3A_194 : memref<1x16x32xf32, #tpu.memory_space<hbm>> -> memref<16x32xf32, #tpu.memory_space<hbm>>
      %dma_start3A_196 = arith.constant 0 : i32
      %dma_start3A_197 = arith.constant 0 : i32
      %dma_start3A_198 = tpu.memref_slice %arg4[%add3A, %dma_start3A_196, %dma_start3A_197] : memref<32x16x32xf32, #tpu.memory_space<hbm>> -> memref<1x16x32xf32, #tpu.memory_space<hbm>>
      %dma_start3A_199 = tpu.memref_squeeze %dma_start3A_198 : memref<1x16x32xf32, #tpu.memory_space<hbm>> -> memref<16x32xf32, #tpu.memory_space<hbm>>
      tpu.enqueue_dma source(%dma_start3A_199 : memref<16x32xf32, #tpu.memory_space<hbm>>) target(%arg7 : memref<16x32xf32, #tpu.memory_space<vmem>>) target_semaphore(%run_scoped3A : memref<!tpu.dma_semaphore, #tpu.memory_space<semaphore_mem>>)
      %dma_wait3A_200 = arith.constant 0 : i32
      %dma_wait3A_201 = arith.constant 0 : i32
      %dma_wait3A_202 = tpu.memref_slice %arg4[%add3A, %dma_wait3A_200, %dma_wait3A_201] : memref<32x16x32xf32, #tpu.memory_space<hbm>> -> memref<1x16x32xf32, #tpu.memory_space<hbm>>
      %dma_wait3A_203 = tpu.memref_squeeze %dma_wait3A_202 : memref<1x16x32xf32, #tpu.memory_space<hbm>> -> memref<16x32xf32, #tpu.memory_space<hbm>>
      %dma_wait3A_204 = arith.constant 0 : i32
      %dma_wait3A_205 = arith.constant 0 : i32
      %dma_wait3A_206 = tpu.memref_slice %arg4[%add3A, %dma_wait3A_204, %dma_wait3A_205] : memref<32x16x32xf32, #tpu.memory_space<hbm>> -> memref<1x16x32xf32, #tpu.memory_space<hbm>>
      %dma_wait3A_207 = tpu.memref_squeeze %dma_wait3A_206 : memref<1x16x32xf32, #tpu.memory_space<hbm>> -> memref<16x32xf32, #tpu.memory_space<hbm>>
      tpu.wait_dma2 semaphore(%run_scoped3A : memref<!tpu.dma_semaphore, #tpu.memory_space<semaphore_mem>>) src(%dma_wait3A_207 : memref<16x32xf32, #tpu.memory_space<hbm>>) dst(%arg7 : memref<16x32xf32, #tpu.memory_space<vmem>>)
      tpu.yield
    }) : () -> ()
    %scan3A = arith.constant 0 : i32
    %scan3A_51 = arith.constant 0 : i32
    %scan3A_52 = arith.constant 2 : i32
    %scan3A_53 = arith.addi %scan3A_51, %scan3A_52 : i32
    %scan3A_54 = arith.constant 1 : i32
    %scan3A_55 = scf.for %scan3A_192 = %scan3A_51 to %scan3A_53 step %scan3A_54 iter_args(%scan3A_193 = %scan3A) -> (i32)  : i32 {
      %mul3A_194 = arith.constant 7 : i32
      %mul3A_195 = arith.muli %scan3A_192, %mul3A_194 : i32
      %add3A_196 = arith.constant 0 : i32
      %add3A_197 = arith.addi %mul3A_195, %add3A_196 : i32
      %dma_wait3A_198 = arith.constant 0 : i32
      %dma_wait3A_199 = tpu.memref_slice %arg6[%add3A_197, %dma_wait3A_198] : memref<16x16xi32, #tpu.memory_space<vmem>> -> memref<1x16xi32, #tpu.memory_space<vmem>>
      %dma_wait3A_200 = tpu.memref_squeeze %dma_wait3A_199 : memref<1x16xi32, #tpu.memory_space<vmem>> -> memref<16xi32, #tpu.memory_space<vmem>>
      %dma_wait3A_201 = arith.constant 0 : i32
      %dma_wait3A_202 = arith.constant 0 : i32
      %dma_wait3A_203 = tpu.memref_slice %arg2[%dma_wait3A_201, %dma_wait3A_202] : memref<32768x1024xf32, #tpu.memory_space<hbm>> -> memref<32768x1024xf32, #tpu.memory_space<hbm>>
      tpu.wait_indirect_dma semaphore(%arg15 : memref<!tpu.dma_semaphore, #tpu.memory_space<semaphore_mem>>) src(%dma_wait3A_203 : memref<32768x1024xf32, #tpu.memory_space<hbm>>) dst(%arg8 : memref<16x1024xf32, #tpu.memory_space<vmem>>)
      %scan3A_204 = arith.constant 0 : i32
      %scan3A_205 = arith.constant 0 : i32
      %scan3A_206 = arith.constant 8 : i32
      %scan3A_207 = arith.addi %scan3A_205, %scan3A_206 : i32
      %scan3A_208 = arith.constant 1 : i32
      %scan3A_209 = scf.for %scan3A_451 = %scan3A_205 to %scan3A_207 step %scan3A_208 iter_args(%scan3A_452 = %scan3A_204) -> (i32)  : i32 {
        %get3A = arith.index_cast %add3A_197 : i32 to index
        %get3A_453 = arith.index_cast %scan3A_451 : i32 to index
        %get3A_454 = tpu.vector_load %arg7[%get3A, %get3A_453] {strides = array<i32>} : memref<16x32xf32, #tpu.memory_space<vmem>>, vector<1x16xf32>,
        %get3A_455 = vector.shape_cast %get3A_454 : vector<1x16xf32> to vector<16xf32>
        %add3A_456 = arith.constant 8 : i32
        %add3A_457 = arith.addi %add3A_456, %scan3A_451 : i32
        %get3A_458 = arith.index_cast %add3A_197 : i32 to index
        %get3A_459 = arith.index_cast %add3A_457 : i32 to index
        %get3A_460 = tpu.vector_load %arg7[%get3A_458, %get3A_459] {strides = array<i32>} : memref<16x32xf32, #tpu.memory_space<vmem>>, vector<1x16xf32>,
        %get3A_461 = vector.shape_cast %get3A_460 : vector<1x16xf32> to vector<16xf32>
        %slice3A = vector.extract_strided_slice %get3A_455 {offsets = [0], sizes = [1], strides = [1]} : vector<16xf32> to vector<1xf32>
        %squeeze3A = vector.extract %slice3A[0] : f32 from vector<1xf32>
        %slice3A_462 = vector.extract_strided_slice %get3A_461 {offsets = [0], sizes = [1], strides = [1]} : vector<16xf32> to vector<1xf32>
        %squeeze3A_463 = vector.extract %slice3A_462[0] : f32 from vector<1xf32>
        %parallel_loop3A = arith.constant 0 : i32
        %parallel_loop3A_464 = arith.constant 64 : i32
        %parallel_loop3A_465 = arith.constant 1 : i32
        scf.for %parallel_loop3A_467 = %parallel_loop3A to %parallel_loop3A_464 step %parallel_loop3A_465  : i32 {
          %parallel_loop3A_468 = arith.constant 16 : i32
          %parallel_loop3A_469 = arith.muli %parallel_loop3A_467, %parallel_loop3A_468 : i32
          %parallel_loop3A_470 = arith.index_cast %scan3A_451 : i32 to index
          %parallel_loop3A_471 = arith.index_cast %parallel_loop3A_469 : i32 to index
          %parallel_loop3A_472 = tpu.vector_load %arg8[%parallel_loop3A_470, %parallel_loop3A_471] {strides = array<i32>} : memref<16x1024xf32, #tpu.memory_space<vmem>>, vector<1x16xf32>,
          %parallel_loop3A_473 = vector.shape_cast %parallel_loop3A_472 : vector<1x16xf32> to vector<16xf32>
          %parallel_loop3A_474 = vector.broadcast %squeeze3A : f32 to vector<16xf32>
          %parallel_loop3A_475 = arith.mulf %parallel_loop3A_474, %parallel_loop3A_473 : vector<16xf32>
          %parallel_loop3A_476 = arith.constant 8 : i32
          %parallel_loop3A_477 = arith.addi %parallel_loop3A_476, %scan3A_451 : i32
          %parallel_loop3A_478 = arith.index_cast %parallel_loop3A_477 : i32 to index
          %parallel_loop3A_479 = arith.index_cast %parallel_loop3A_469 : i32 to index
          %parallel_loop3A_480 = tpu.vector_load %arg8[%parallel_loop3A_478, %parallel_loop3A_479] {strides = array<i32>} : memref<16x1024xf32, #tpu.memory_space<vmem>>, vector<1x16xf32>,
          %parallel_loop3A_481 = vector.shape_cast %parallel_loop3A_480 : vector<1x16xf32> to vector<16xf32>
          %parallel_loop3A_482 = vector.broadcast %squeeze3A_463 : f32 to vector<16xf32>
          %parallel_loop3A_483 = arith.mulf %parallel_loop3A_482, %parallel_loop3A_481 : vector<16xf32>
          %parallel_loop3A_484 = arith.addf %parallel_loop3A_475, %parallel_loop3A_483 : vector<16xf32>
          %parallel_loop3A_485 = arith.index_cast %scan3A_451 : i32 to index
          %parallel_loop3A_486 = arith.index_cast %parallel_loop3A_469 : i32 to index
          %parallel_loop3A_487 = tpu.vector_load %arg8[%parallel_loop3A_485, %parallel_loop3A_486] {strides = array<i32>} : memref<16x1024xf32, #tpu.memory_space<vmem>>, vector<1x16xf32>,
          %parallel_loop3A_488 = vector.shape_cast %parallel_loop3A_487 : vector<1x16xf32> to vector<16xf32>
          %parallel_loop3A_489 = vector.shape_cast %parallel_loop3A_484 : vector<16xf32> to vector<1x16xf32>
          tpu.vector_store %arg8[%parallel_loop3A_485, %parallel_loop3A_486], %parallel_loop3A_489 {strides = array<i32>} : memref<16x1024xf32, #tpu.memory_space<vmem>>, vector<1x16xf32>,
        } {sc.loop_unroll_factor = 8 : i64, sc.parallel_access}
        %scan3A_466 = arith.constant 0 : i32
        scf.yield %scan3A_466 : i32
      }
      %scan3A_210 = arith.constant 8 : i32
      %mul3A_211 = arith.constant 8 : i32
      %mul3A_212 = arith.muli %add3A_197, %mul3A_211 : i32
      %add3A_213 = arith.addi %mul3A_2, %mul3A_212 : i32
      %dma_start3A_214 = arith.constant 0 : i32
      %dma_start3A_215 = arith.constant 0 : i32
      %dma_start3A_216 = tpu.memref_slice %arg8[%dma_start3A_214, %dma_start3A_215] : memref<16x1024xf32, #tpu.memory_space<vmem>> -> memref<8x1024xf32, #tpu.memory_space<vmem>>
      %dma_start3A_217 = arith.constant 0 : i32
      %dma_start3A_218 = tpu.memref_slice %arg5[%add3A_213, %dma_start3A_217] : memref<4096x1024xf32, #tpu.memory_space<hbm>> -> memref<8x1024xf32, #tpu.memory_space<hbm>>
      %dma_start3A_219 = arith.constant 0 : i32
      %dma_start3A_220 = tpu.memref_slice %arg5[%add3A_213, %dma_start3A_219] : memref<4096x1024xf32, #tpu.memory_space<hbm>> -> memref<8x1024xf32, #tpu.memory_space<hbm>>
      %dma_start3A_221 = arith.constant 0 : i32
      %dma_start3A_222 = arith.constant 0 : i32
      %dma_start3A_223 = tpu.memref_slice %arg8[%dma_start3A_221, %dma_start3A_222] : memref<16x1024xf32, #tpu.memory_space<vmem>> -> memref<8x1024xf32, #tpu.memory_space<vmem>>
      tpu.enqueue_dma source(%dma_start3A_223 : memref<8x1024xf32, #tpu.memory_space<vmem>>) target(%dma_start3A_220 : memref<8x1024xf32, #tpu.memory_space<hbm>>) target_semaphore(%arg22 : memref<!tpu.dma_semaphore, #tpu.memory_space<semaphore_mem>>)
      %add3A_224 = arith.constant 7 : i32
      %add3A_225 = arith.addi %add3A_197, %add3A_224 : i32
      %lt3A = arith.constant 16 : i32
      %lt3A_226 = arith.cmpi slt, %add3A_225, %lt3A : i32
      %convert_element_type3A = arith.extui %lt3A_226 : i1 to i32
      %cond3A = arith.constant 0 : i32
      %cond3A_227 = arith.cmpi ne, %convert_element_type3A, %cond3A : i32
      scf.if %cond3A_227 {
        %mul3A_451 = arith.constant 8 : i32
        %mul3A_452 = arith.muli %add3A_197, %mul3A_451 : i32
        %add3A_453 = arith.addi %mul3A_2, %mul3A_452 : i32
        %dma_wait3A_454 = arith.constant 0 : i32
        %dma_wait3A_455 = arith.constant 0 : i32
        %dma_wait3A_456 = tpu.memref_slice %arg8[%dma_wait3A_454, %dma_wait3A_455] : memref<16x1024xf32, #tpu.memory_space<vmem>> -> memref<8x1024xf32, #tpu.memory_space<vmem>>
        %dma_wait3A_457 = arith.constant 0 : i32
        %dma_wait3A_458 = tpu.memref_slice %arg5[%add3A_453, %dma_wait3A_457] : memref<4096x1024xf32, #tpu.memory_space<hbm>> -> memref<8x1024xf32, #tpu.memory_space<hbm>>
        %dma_wait3A_459 = arith.constant 0 : i32
        %dma_wait3A_460 = tpu.memref_slice %arg5[%add3A_453, %dma_wait3A_459] : memref<4096x1024xf32, #tpu.memory_space<hbm>> -> memref<8x1024xf32, #tpu.memory_space<hbm>>
        %dma_wait3A_461 = arith.constant 0 : i32
        %dma_wait3A_462 = arith.constant 0 : i32
        %dma_wait3A_463 = tpu.memref_slice %arg8[%dma_wait3A_461, %dma_wait3A_462] : memref<16x1024xf32, #tpu.memory_space<vmem>> -> memref<8x1024xf32, #tpu.memory_space<vmem>>
        tpu.wait_dma2 semaphore(%arg22 : memref<!tpu.dma_semaphore, #tpu.memory_space<semaphore_mem>>) src(%dma_wait3A_463 : memref<8x1024xf32, #tpu.memory_space<vmem>>) dst(%dma_wait3A_460 : memref<8x1024xf32, #tpu.memory_space<hbm>>)
        %add3A_464 = arith.constant 7 : i32
        %add3A_465 = arith.addi %add3A_197, %add3A_464 : i32
        %dma_start3A_466 = arith.constant 0 : i32
        %dma_start3A_467 = tpu.memref_slice %arg6[%add3A_465, %dma_start3A_466] : memref<16x16xi32, #tpu.memory_space<vmem>> -> memref<1x16xi32, #tpu.memory_space<vmem>>
        %dma_start3A_468 = tpu.memref_squeeze %dma_start3A_467 : memref<1x16xi32, #tpu.memory_space<vmem>> -> memref<16xi32, #tpu.memory_space<vmem>>
        %dma_start3A_469 = arith.constant 0 : i32
        %dma_start3A_470 = arith.constant 0 : i32
        %dma_start3A_471 = tpu.memref_slice %arg2[%dma_start3A_469, %dma_start3A_470] : memref<32768x1024xf32, #tpu.memory_space<hbm>> -> memref<32768x1024xf32, #tpu.memory_space<hbm>>
        tpu.enqueue_indirect_dma source(%dma_start3A_471 : memref<32768x1024xf32, #tpu.memory_space<hbm>>) target(%arg8 : memref<16x1024xf32, #tpu.memory_space<vmem>>) offsets(%dma_start3A_468 : memref<16xi32, #tpu.memory_space<vmem>>) semaphore(%arg15 : memref<!tpu.dma_semaphore, #tpu.memory_space<semaphore_mem>>)
      } else {
      }
      %mul3A_228 = arith.constant 7 : i32
      %mul3A_229 = arith.muli %scan3A_192, %mul3A_228 : i32
      %add3A_230 = arith.constant 1 : i32
      %add3A_231 = arith.addi %mul3A_229, %add3A_230 : i32
      %dma_wait3A_232 = arith.constant 0 : i32
      %dma_wait3A_233 = tpu.memref_slice %arg6[%add3A_231, %dma_wait3A_232] : memref<16x16xi32, #tpu.memory_space<vmem>> -> memref<1x16xi32, #tpu.memory_space<vmem>>
      %dma_wait3A_234 = tpu.memref_squeeze %dma_wait3A_233 : memref<1x16xi32, #tpu.memory_space<vmem>> -> memref<16xi32, #tpu.memory_space<vmem>>
      %dma_wait3A_235 = arith.constant 0 : i32
      %dma_wait3A_236 = arith.constant 0 : i32
      %dma_wait3A_237 = tpu.memref_slice %arg2[%dma_wait3A_235, %dma_wait3A_236] : memref<32768x1024xf32, #tpu.memory_space<hbm>> -> memref<32768x1024xf32, #tpu.memory_space<hbm>>
      tpu.wait_indirect_dma semaphore(%arg16 : memref<!tpu.dma_semaphore, #tpu.memory_space<semaphore_mem>>) src(%dma_wait3A_237 : memref<32768x1024xf32, #tpu.memory_space<hbm>>) dst(%arg9 : memref<16x1024xf32, #tpu.memory_space<vmem>>)
      %scan3A_238 = arith.constant 0 : i32
      %scan3A_239 = arith.constant 0 : i32
      %scan3A_240 = arith.constant 8 : i32
      %scan3A_241 = arith.addi %scan3A_239, %scan3A_240 : i32
      %scan3A_242 = arith.constant 1 : i32
      %scan3A_243 = scf.for %scan3A_451 = %scan3A_239 to %scan3A_241 step %scan3A_242 iter_args(%scan3A_452 = %scan3A_238) -> (i32)  : i32 {
        %get3A = arith.index_cast %add3A_231 : i32 to index
        %get3A_453 = arith.index_cast %scan3A_451 : i32 to index
        %get3A_454 = tpu.vector_load %arg7[%get3A, %get3A_453] {strides = array<i32>} : memref<16x32xf32, #tpu.memory_space<vmem>>, vector<1x16xf32>,
        %get3A_455 = vector.shape_cast %get3A_454 : vector<1x16xf32> to vector<16xf32>
        %add3A_456 = arith.constant 8 : i32
        %add3A_457 = arith.addi %add3A_456, %scan3A_451 : i32
        %get3A_458 = arith.index_cast %add3A_231 : i32 to index
        %get3A_459 = arith.index_cast %add3A_457 : i32 to index
        %get3A_460 = tpu.vector_load %arg7[%get3A_458, %get3A_459] {strides = array<i32>} : memref<16x32xf32, #tpu.memory_space<vmem>>, vector<1x16xf32>,
        %get3A_461 = vector.shape_cast %get3A_460 : vector<1x16xf32> to vector<16xf32>
        %slice3A = vector.extract_strided_slice %get3A_455 {offsets = [0], sizes = [1], strides = [1]} : vector<16xf32> to vector<1xf32>
        %squeeze3A = vector.extract %slice3A[0] : f32 from vector<1xf32>
        %slice3A_462 = vector.extract_strided_slice %get3A_461 {offsets = [0], sizes = [1], strides = [1]} : vector<16xf32> to vector<1xf32>
        %squeeze3A_463 = vector.extract %slice3A_462[0] : f32 from vector<1xf32>
        %parallel_loop3A = arith.constant 0 : i32
        %parallel_loop3A_464 = arith.constant 64 : i32
        %parallel_loop3A_465 = arith.constant 1 : i32
        scf.for %parallel_loop3A_467 = %parallel_loop3A to %parallel_loop3A_464 step %parallel_loop3A_465  : i32 {
          %parallel_loop3A_468 = arith.constant 16 : i32
          %parallel_loop3A_469 = arith.muli %parallel_loop3A_467, %parallel_loop3A_468 : i32
          %parallel_loop3A_470 = arith.index_cast %scan3A_451 : i32 to index
          %parallel_loop3A_471 = arith.index_cast %parallel_loop3A_469 : i32 to index
          %parallel_loop3A_472 = tpu.vector_load %arg9[%parallel_loop3A_470, %parallel_loop3A_471] {strides = array<i32>} : memref<16x1024xf32, #tpu.memory_space<vmem>>, vector<1x16xf32>,
          %parallel_loop3A_473 = vector.shape_cast %parallel_loop3A_472 : vector<1x16xf32> to vector<16xf32>
          %parallel_loop3A_474 = vector.broadcast %squeeze3A : f32 to vector<16xf32>
          %parallel_loop3A_475 = arith.mulf %parallel_loop3A_474, %parallel_loop3A_473 : vector<16xf32>
          %parallel_loop3A_476 = arith.constant 8 : i32
          %parallel_loop3A_477 = arith.addi %parallel_loop3A_476, %scan3A_451 : i32
          %parallel_loop3A_478 = arith.index_cast %parallel_loop3A_477 : i32 to index
          %parallel_loop3A_479 = arith.index_cast %parallel_loop3A_469 : i32 to index
          %parallel_loop3A_480 = tpu.vector_load %arg9[%parallel_loop3A_478, %parallel_loop3A_479] {strides = array<i32>} : memref<16x1024xf32, #tpu.memory_space<vmem>>, vector<1x16xf32>,
          %parallel_loop3A_481 = vector.shape_cast %parallel_loop3A_480 : vector<1x16xf32> to vector<16xf32>
          %parallel_loop3A_482 = vector.broadcast %squeeze3A_463 : f32 to vector<16xf32>
          %parallel_loop3A_483 = arith.mulf %parallel_loop3A_482, %parallel_loop3A_481 : vector<16xf32>
          %parallel_loop3A_484 = arith.addf %parallel_loop3A_475, %parallel_loop3A_483 : vector<16xf32>
          %parallel_loop3A_485 = arith.index_cast %scan3A_451 : i32 to index
          %parallel_loop3A_486 = arith.index_cast %parallel_loop3A_469 : i32 to index
          %parallel_loop3A_487 = tpu.vector_load %arg9[%parallel_loop3A_485, %parallel_loop3A_486] {strides = array<i32>} : memref<16x1024xf32, #tpu.memory_space<vmem>>, vector<1x16xf32>,
          %parallel_loop3A_488 = vector.shape_cast %parallel_loop3A_487 : vector<1x16xf32> to vector<16xf32>
          %parallel_loop3A_489 = vector.shape_cast %parallel_loop3A_484 : vector<16xf32> to vector<1x16xf32>
          tpu.vector_store %arg9[%parallel_loop3A_485, %parallel_loop3A_486], %parallel_loop3A_489 {strides = array<i32>} : memref<16x1024xf32, #tpu.memory_space<vmem>>, vector<1x16xf32>,
        } {sc.loop_unroll_factor = 8 : i64, sc.parallel_access}
        %scan3A_466 = arith.constant 0 : i32
        scf.yield %scan3A_466 : i32
      }
      %scan3A_244 = arith.constant 8 : i32
      %mul3A_245 = arith.constant 8 : i32
      %mul3A_246 = arith.muli %add3A_231, %mul3A_245 : i32
      %add3A_247 = arith.addi %mul3A_2, %mul3A_246 : i32
      %dma_start3A_248 = arith.constant 0 : i32
      %dma_start3A_249 = arith.constant 0 : i32
      %dma_start3A_250 = tpu.memref_slice %arg9[%dma_start3A_248, %dma_start3A_249] : memref<16x1024xf32, #tpu.memory_space<vmem>> -> memref<8x1024xf32, #tpu.memory_space<vmem>>
      %dma_start3A_251 = arith.constant 0 : i32
      %dma_start3A_252 = tpu.memref_slice %arg5[%add3A_247, %dma_start3A_251] : memref<4096x1024xf32, #tpu.memory_space<hbm>> -> memref<8x1024xf32, #tpu.memory_space<hbm>>
      %dma_start3A_253 = arith.constant 0 : i32
      %dma_start3A_254 = tpu.memref_slice %arg5[%add3A_247, %dma_start3A_253] : memref<4096x1024xf32, #tpu.memory_space<hbm>> -> memref<8x1024xf32, #tpu.memory_space<hbm>>
      %dma_start3A_255 = arith.constant 0 : i32
      %dma_start3A_256 = arith.constant 0 : i32
      %dma_start3A_257 = tpu.memref_slice %arg9[%dma_start3A_255, %dma_start3A_256] : memref<16x1024xf32, #tpu.memory_space<vmem>> -> memref<8x1024xf32, #tpu.memory_space<vmem>>
      tpu.enqueue_dma source(%dma_start3A_257 : memref<8x1024xf32, #tpu.memory_space<vmem>>) target(%dma_start3A_254 : memref<8x1024xf32, #tpu.memory_space<hbm>>) target_semaphore(%arg23 : memref<!tpu.dma_semaphore, #tpu.memory_space<semaphore_mem>>)
      %add3A_258 = arith.constant 7 : i32
      %add3A_259 = arith.addi %add3A_231, %add3A_258 : i32
      %lt3A_260 = arith.constant 16 : i32
      %lt3A_261 = arith.cmpi slt, %add3A_259, %lt3A_260 : i32
      %convert_element_type3A_262 = arith.extui %lt3A_261 : i1 to i32
      %cond3A_263 = arith.constant 0 : i32
      %cond3A_264 = arith.cmpi ne, %convert_element_type3A_262, %cond3A_263 : i32
      scf.if %cond3A_264 {
        %mul3A_451 = arith.constant 8 : i32
        %mul3A_452 = arith.muli %add3A_231, %mul3A_451 : i32
        %add3A_453 = arith.addi %mul3A_2, %mul3A_452 : i32
        %dma_wait3A_454 = arith.constant 0 : i32
        %dma_wait3A_455 = arith.constant 0 : i32
        %dma_wait3A_456 = tpu.memref_slice %arg9[%dma_wait3A_454, %dma_wait3A_455] : memref<16x1024xf32, #tpu.memory_space<vmem>> -> memref<8x1024xf32, #tpu.memory_space<vmem>>
        %dma_wait3A_457 = arith.constant 0 : i32
        %dma_wait3A_458 = tpu.memref_slice %arg5[%add3A_453, %dma_wait3A_457] : memref<4096x1024xf32, #tpu.memory_space<hbm>> -> memref<8x1024xf32, #tpu.memory_space<hbm>>
        %dma_wait3A_459 = arith.constant 0 : i32
        %dma_wait3A_460 = tpu.memref_slice %arg5[%add3A_453, %dma_wait3A_459] : memref<4096x1024xf32, #tpu.memory_space<hbm>> -> memref<8x1024xf32, #tpu.memory_space<hbm>>
        %dma_wait3A_461 = arith.constant 0 : i32
        %dma_wait3A_462 = arith.constant 0 : i32
        %dma_wait3A_463 = tpu.memref_slice %arg9[%dma_wait3A_461, %dma_wait3A_462] : memref<16x1024xf32, #tpu.memory_space<vmem>> -> memref<8x1024xf32, #tpu.memory_space<vmem>>
        tpu.wait_dma2 semaphore(%arg23 : memref<!tpu.dma_semaphore, #tpu.memory_space<semaphore_mem>>) src(%dma_wait3A_463 : memref<8x1024xf32, #tpu.memory_space<vmem>>) dst(%dma_wait3A_460 : memref<8x1024xf32, #tpu.memory_space<hbm>>)
        %add3A_464 = arith.constant 7 : i32
        %add3A_465 = arith.addi %add3A_231, %add3A_464 : i32
        %dma_start3A_466 = arith.constant 0 : i32
        %dma_start3A_467 = tpu.memref_slice %arg6[%add3A_465, %dma_start3A_466] : memref<16x16xi32, #tpu.memory_space<vmem>> -> memref<1x16xi32, #tpu.memory_space<vmem>>
        %dma_start3A_468 = tpu.memref_squeeze %dma_start3A_467 : memref<1x16xi32, #tpu.memory_space<vmem>> -> memref<16xi32, #tpu.memory_space<vmem>>
        %dma_start3A_469 = arith.constant 0 : i32
        %dma_start3A_470 = arith.constant 0 : i32
        %dma_start3A_471 = tpu.memref_slice %arg2[%dma_start3A_469, %dma_start3A_470] : memref<32768x1024xf32, #tpu.memory_space<hbm>> -> memref<32768x1024xf32, #tpu.memory_space<hbm>>
        tpu.enqueue_indirect_dma source(%dma_start3A_471 : memref<32768x1024xf32, #tpu.memory_space<hbm>>) target(%arg9 : memref<16x1024xf32, #tpu.memory_space<vmem>>) offsets(%dma_start3A_468 : memref<16xi32, #tpu.memory_space<vmem>>) semaphore(%arg16 : memref<!tpu.dma_semaphore, #tpu.memory_space<semaphore_mem>>)
      } else {
      }
      %mul3A_265 = arith.constant 7 : i32
      %mul3A_266 = arith.muli %scan3A_192, %mul3A_265 : i32
      %add3A_267 = arith.constant 2 : i32
      %add3A_268 = arith.addi %mul3A_266, %add3A_267 : i32
      %dma_wait3A_269 = arith.constant 0 : i32
      %dma_wait3A_270 = tpu.memref_slice %arg6[%add3A_268, %dma_wait3A_269] : memref<16x16xi32, #tpu.memory_space<vmem>> -> memref<1x16xi32, #tpu.memory_space<vmem>>
      %dma_wait3A_271 = tpu.memref_squeeze %dma_wait3A_270 : memref<1x16xi32, #tpu.memory_space<vmem>> -> memref<16xi32, #tpu.memory_space<vmem>>
      %dma_wait3A_272 = arith.constant 0 : i32
      %dma_wait3A_273 = arith.constant 0 : i32
      %dma_wait3A_274 = tpu.memref_slice %arg2[%dma_wait3A_272, %dma_wait3A_273] : memref<32768x1024xf32, #tpu.memory_space<hbm>> -> memref<32768x1024xf32, #tpu.memory_space<hbm>>
      tpu.wait_indirect_dma semaphore(%arg17 : memref<!tpu.dma_semaphore, #tpu.memory_space<semaphore_mem>>) src(%dma_wait3A_274 : memref<32768x1024xf32, #tpu.memory_space<hbm>>) dst(%arg10 : memref<16x1024xf32, #tpu.memory_space<vmem>>)
      %scan3A_275 = arith.constant 0 : i32
      %scan3A_276 = arith.constant 0 : i32
      %scan3A_277 = arith.constant 8 : i32
      %scan3A_278 = arith.addi %scan3A_276, %scan3A_277 : i32
      %scan3A_279 = arith.constant 1 : i32
      %scan3A_280 = scf.for %scan3A_451 = %scan3A_276 to %scan3A_278 step %scan3A_279 iter_args(%scan3A_452 = %scan3A_275) -> (i32)  : i32 {
        %get3A = arith.index_cast %add3A_268 : i32 to index
        %get3A_453 = arith.index_cast %scan3A_451 : i32 to index
        %get3A_454 = tpu.vector_load %arg7[%get3A, %get3A_453] {strides = array<i32>} : memref<16x32xf32, #tpu.memory_space<vmem>>, vector<1x16xf32>,
        %get3A_455 = vector.shape_cast %get3A_454 : vector<1x16xf32> to vector<16xf32>
        %add3A_456 = arith.constant 8 : i32
        %add3A_457 = arith.addi %add3A_456, %scan3A_451 : i32
        %get3A_458 = arith.index_cast %add3A_268 : i32 to index
        %get3A_459 = arith.index_cast %add3A_457 : i32 to index
        %get3A_460 = tpu.vector_load %arg7[%get3A_458, %get3A_459] {strides = array<i32>} : memref<16x32xf32, #tpu.memory_space<vmem>>, vector<1x16xf32>,
        %get3A_461 = vector.shape_cast %get3A_460 : vector<1x16xf32> to vector<16xf32>
        %slice3A = vector.extract_strided_slice %get3A_455 {offsets = [0], sizes = [1], strides = [1]} : vector<16xf32> to vector<1xf32>
        %squeeze3A = vector.extract %slice3A[0] : f32 from vector<1xf32>
        %slice3A_462 = vector.extract_strided_slice %get3A_461 {offsets = [0], sizes = [1], strides = [1]} : vector<16xf32> to vector<1xf32>
        %squeeze3A_463 = vector.extract %slice3A_462[0] : f32 from vector<1xf32>
        %parallel_loop3A = arith.constant 0 : i32
        %parallel_loop3A_464 = arith.constant 64 : i32
        %parallel_loop3A_465 = arith.constant 1 : i32
        scf.for %parallel_loop3A_467 = %parallel_loop3A to %parallel_loop3A_464 step %parallel_loop3A_465  : i32 {
          %parallel_loop3A_468 = arith.constant 16 : i32
          %parallel_loop3A_469 = arith.muli %parallel_loop3A_467, %parallel_loop3A_468 : i32
          %parallel_loop3A_470 = arith.index_cast %scan3A_451 : i32 to index
          %parallel_loop3A_471 = arith.index_cast %parallel_loop3A_469 : i32 to index
          %parallel_loop3A_472 = tpu.vector_load %arg10[%parallel_loop3A_470, %parallel_loop3A_471] {strides = array<i32>} : memref<16x1024xf32, #tpu.memory_space<vmem>>, vector<1x16xf32>,
          %parallel_loop3A_473 = vector.shape_cast %parallel_loop3A_472 : vector<1x16xf32> to vector<16xf32>
          %parallel_loop3A_474 = vector.broadcast %squeeze3A : f32 to vector<16xf32>
          %parallel_loop3A_475 = arith.mulf %parallel_loop3A_474, %parallel_loop3A_473 : vector<16xf32>
          %parallel_loop3A_476 = arith.constant 8 : i32
          %parallel_loop3A_477 = arith.addi %parallel_loop3A_476, %scan3A_451 : i32
          %parallel_loop3A_478 = arith.index_cast %parallel_loop3A_477 : i32 to index
          %parallel_loop3A_479 = arith.index_cast %parallel_loop3A_469 : i32 to index
          %parallel_loop3A_480 = tpu.vector_load %arg10[%parallel_loop3A_478, %parallel_loop3A_479] {strides = array<i32>} : memref<16x1024xf32, #tpu.memory_space<vmem>>, vector<1x16xf32>,
          %parallel_loop3A_481 = vector.shape_cast %parallel_loop3A_480 : vector<1x16xf32> to vector<16xf32>
          %parallel_loop3A_482 = vector.broadcast %squeeze3A_463 : f32 to vector<16xf32>
          %parallel_loop3A_483 = arith.mulf %parallel_loop3A_482, %parallel_loop3A_481 : vector<16xf32>
          %parallel_loop3A_484 = arith.addf %parallel_loop3A_475, %parallel_loop3A_483 : vector<16xf32>
          %parallel_loop3A_485 = arith.index_cast %scan3A_451 : i32 to index
          %parallel_loop3A_486 = arith.index_cast %parallel_loop3A_469 : i32 to index
          %parallel_loop3A_487 = tpu.vector_load %arg10[%parallel_loop3A_485, %parallel_loop3A_486] {strides = array<i32>} : memref<16x1024xf32, #tpu.memory_space<vmem>>, vector<1x16xf32>,
          %parallel_loop3A_488 = vector.shape_cast %parallel_loop3A_487 : vector<1x16xf32> to vector<16xf32>
          %parallel_loop3A_489 = vector.shape_cast %parallel_loop3A_484 : vector<16xf32> to vector<1x16xf32>
          tpu.vector_store %arg10[%parallel_loop3A_485, %parallel_loop3A_486], %parallel_loop3A_489 {strides = array<i32>} : memref<16x1024xf32, #tpu.memory_space<vmem>>, vector<1x16xf32>,
        } {sc.loop_unroll_factor = 8 : i64, sc.parallel_access}
        %scan3A_466 = arith.constant 0 : i32
        scf.yield %scan3A_466 : i32
      }
      %scan3A_281 = arith.constant 8 : i32
      %mul3A_282 = arith.constant 8 : i32
      %mul3A_283 = arith.muli %add3A_268, %mul3A_282 : i32
      %add3A_284 = arith.addi %mul3A_2, %mul3A_283 : i32
      %dma_start3A_285 = arith.constant 0 : i32
      %dma_start3A_286 = arith.constant 0 : i32
      %dma_start3A_287 = tpu.memref_slice %arg10[%dma_start3A_285, %dma_start3A_286] : memref<16x1024xf32, #tpu.memory_space<vmem>> -> memref<8x1024xf32, #tpu.memory_space<vmem>>
      %dma_start3A_288 = arith.constant 0 : i32
      %dma_start3A_289 = tpu.memref_slice %arg5[%add3A_284, %dma_start3A_288] : memref<4096x1024xf32, #tpu.memory_space<hbm>> -> memref<8x1024xf32, #tpu.memory_space<hbm>>
      %dma_start3A_290 = arith.constant 0 : i32
      %dma_start3A_291 = tpu.memref_slice %arg5[%add3A_284, %dma_start3A_290] : memref<4096x1024xf32, #tpu.memory_space<hbm>> -> memref<8x1024xf32, #tpu.memory_space<hbm>>
      %dma_start3A_292 = arith.constant 0 : i32
      %dma_start3A_293 = arith.constant 0 : i32
      %dma_start3A_294 = tpu.memref_slice %arg10[%dma_start3A_292, %dma_start3A_293] : memref<16x1024xf32, #tpu.memory_space<vmem>> -> memref<8x1024xf32, #tpu.memory_space<vmem>>
      tpu.enqueue_dma source(%dma_start3A_294 : memref<8x1024xf32, #tpu.memory_space<vmem>>) target(%dma_start3A_291 : memref<8x1024xf32, #tpu.memory_space<hbm>>) target_semaphore(%arg24 : memref<!tpu.dma_semaphore, #tpu.memory_space<semaphore_mem>>)
      %add3A_295 = arith.constant 7 : i32
      %add3A_296 = arith.addi %add3A_268, %add3A_295 : i32
      %lt3A_297 = arith.constant 16 : i32
      %lt3A_298 = arith.cmpi slt, %add3A_296, %lt3A_297 : i32
      %convert_element_type3A_299 = arith.extui %lt3A_298 : i1 to i32
      %cond3A_300 = arith.constant 0 : i32
      %cond3A_301 = arith.cmpi ne, %convert_element_type3A_299, %cond3A_300 : i32
      scf.if %cond3A_301 {
        %mul3A_451 = arith.constant 8 : i32
        %mul3A_452 = arith.muli %add3A_268, %mul3A_451 : i32
        %add3A_453 = arith.addi %mul3A_2, %mul3A_452 : i32
        %dma_wait3A_454 = arith.constant 0 : i32
        %dma_wait3A_455 = arith.constant 0 : i32
        %dma_wait3A_456 = tpu.memref_slice %arg10[%dma_wait3A_454, %dma_wait3A_455] : memref<16x1024xf32, #tpu.memory_space<vmem>> -> memref<8x1024xf32, #tpu.memory_space<vmem>>
        %dma_wait3A_457 = arith.constant 0 : i32
        %dma_wait3A_458 = tpu.memref_slice %arg5[%add3A_453, %dma_wait3A_457] : memref<4096x1024xf32, #tpu.memory_space<hbm>> -> memref<8x1024xf32, #tpu.memory_space<hbm>>
        %dma_wait3A_459 = arith.constant 0 : i32
        %dma_wait3A_460 = tpu.memref_slice %arg5[%add3A_453, %dma_wait3A_459] : memref<4096x1024xf32, #tpu.memory_space<hbm>> -> memref<8x1024xf32, #tpu.memory_space<hbm>>
        %dma_wait3A_461 = arith.constant 0 : i32
        %dma_wait3A_462 = arith.constant 0 : i32
        %dma_wait3A_463 = tpu.memref_slice %arg10[%dma_wait3A_461, %dma_wait3A_462] : memref<16x1024xf32, #tpu.memory_space<vmem>> -> memref<8x1024xf32, #tpu.memory_space<vmem>>
        tpu.wait_dma2 semaphore(%arg24 : memref<!tpu.dma_semaphore, #tpu.memory_space<semaphore_mem>>) src(%dma_wait3A_463 : memref<8x1024xf32, #tpu.memory_space<vmem>>) dst(%dma_wait3A_460 : memref<8x1024xf32, #tpu.memory_space<hbm>>)
        %add3A_464 = arith.constant 7 : i32
        %add3A_465 = arith.addi %add3A_268, %add3A_464 : i32
        %dma_start3A_466 = arith.constant 0 : i32
        %dma_start3A_467 = tpu.memref_slice %arg6[%add3A_465, %dma_start3A_466] : memref<16x16xi32, #tpu.memory_space<vmem>> -> memref<1x16xi32, #tpu.memory_space<vmem>>
        %dma_start3A_468 = tpu.memref_squeeze %dma_start3A_467 : memref<1x16xi32, #tpu.memory_space<vmem>> -> memref<16xi32, #tpu.memory_space<vmem>>
        %dma_start3A_469 = arith.constant 0 : i32
        %dma_start3A_470 = arith.constant 0 : i32
        %dma_start3A_471 = tpu.memref_slice %arg2[%dma_start3A_469, %dma_start3A_470] : memref<32768x1024xf32, #tpu.memory_space<hbm>> -> memref<32768x1024xf32, #tpu.memory_space<hbm>>
        tpu.enqueue_indirect_dma source(%dma_start3A_471 : memref<32768x1024xf32, #tpu.memory_space<hbm>>) target(%arg10 : memref<16x1024xf32, #tpu.memory_space<vmem>>) offsets(%dma_start3A_468 : memref<16xi32, #tpu.memory_space<vmem>>) semaphore(%arg17 : memref<!tpu.dma_semaphore, #tpu.memory_space<semaphore_mem>>)
      } else {
      }
      %mul3A_302 = arith.constant 7 : i32
      %mul3A_303 = arith.muli %scan3A_192, %mul3A_302 : i32
      %add3A_304 = arith.constant 3 : i32
      %add3A_305 = arith.addi %mul3A_303, %add3A_304 : i32
      %dma_wait3A_306 = arith.constant 0 : i32
      %dma_wait3A_307 = tpu.memref_slice %arg6[%add3A_305, %dma_wait3A_306] : memref<16x16xi32, #tpu.memory_space<vmem>> -> memref<1x16xi32, #tpu.memory_space<vmem>>
      %dma_wait3A_308 = tpu.memref_squeeze %dma_wait3A_307 : memref<1x16xi32, #tpu.memory_space<vmem>> -> memref<16xi32, #tpu.memory_space<vmem>>
      %dma_wait3A_309 = arith.constant 0 : i32
      %dma_wait3A_310 = arith.constant 0 : i32
      %dma_wait3A_311 = tpu.memref_slice %arg2[%dma_wait3A_309, %dma_wait3A_310] : memref<32768x1024xf32, #tpu.memory_space<hbm>> -> memref<32768x1024xf32, #tpu.memory_space<hbm>>
      tpu.wait_indirect_dma semaphore(%arg18 : memref<!tpu.dma_semaphore, #tpu.memory_space<semaphore_mem>>) src(%dma_wait3A_311 : memref<32768x1024xf32, #tpu.memory_space<hbm>>) dst(%arg11 : memref<16x1024xf32, #tpu.memory_space<vmem>>)
      %scan3A_312 = arith.constant 0 : i32
      %scan3A_313 = arith.constant 0 : i32
      %scan3A_314 = arith.constant 8 : i32
      %scan3A_315 = arith.addi %scan3A_313, %scan3A_314 : i32
      %scan3A_316 = arith.constant 1 : i32
      %scan3A_317 = scf.for %scan3A_451 = %scan3A_313 to %scan3A_315 step %scan3A_316 iter_args(%scan3A_452 = %scan3A_312) -> (i32)  : i32 {
        %get3A = arith.index_cast %add3A_305 : i32 to index
        %get3A_453 = arith.index_cast %scan3A_451 : i32 to index
        %get3A_454 = tpu.vector_load %arg7[%get3A, %get3A_453] {strides = array<i32>} : memref<16x32xf32, #tpu.memory_space<vmem>>, vector<1x16xf32>,
        %get3A_455 = vector.shape_cast %get3A_454 : vector<1x16xf32> to vector<16xf32>
        %add3A_456 = arith.constant 8 : i32
        %add3A_457 = arith.addi %add3A_456, %scan3A_451 : i32
        %get3A_458 = arith.index_cast %add3A_305 : i32 to index
        %get3A_459 = arith.index_cast %add3A_457 : i32 to index
        %get3A_460 = tpu.vector_load %arg7[%get3A_458, %get3A_459] {strides = array<i32>} : memref<16x32xf32, #tpu.memory_space<vmem>>, vector<1x16xf32>,
        %get3A_461 = vector.shape_cast %get3A_460 : vector<1x16xf32> to vector<16xf32>
        %slice3A = vector.extract_strided_slice %get3A_455 {offsets = [0], sizes = [1], strides = [1]} : vector<16xf32> to vector<1xf32>
        %squeeze3A = vector.extract %slice3A[0] : f32 from vector<1xf32>
        %slice3A_462 = vector.extract_strided_slice %get3A_461 {offsets = [0], sizes = [1], strides = [1]} : vector<16xf32> to vector<1xf32>
        %squeeze3A_463 = vector.extract %slice3A_462[0] : f32 from vector<1xf32>
        %parallel_loop3A = arith.constant 0 : i32
        %parallel_loop3A_464 = arith.constant 64 : i32
        %parallel_loop3A_465 = arith.constant 1 : i32
        scf.for %parallel_loop3A_467 = %parallel_loop3A to %parallel_loop3A_464 step %parallel_loop3A_465  : i32 {
          %parallel_loop3A_468 = arith.constant 16 : i32
          %parallel_loop3A_469 = arith.muli %parallel_loop3A_467, %parallel_loop3A_468 : i32
          %parallel_loop3A_470 = arith.index_cast %scan3A_451 : i32 to index
          %parallel_loop3A_471 = arith.index_cast %parallel_loop3A_469 : i32 to index
          %parallel_loop3A_472 = tpu.vector_load %arg11[%parallel_loop3A_470, %parallel_loop3A_471] {strides = array<i32>} : memref<16x1024xf32, #tpu.memory_space<vmem>>, vector<1x16xf32>,
          %parallel_loop3A_473 = vector.shape_cast %parallel_loop3A_472 : vector<1x16xf32> to vector<16xf32>
          %parallel_loop3A_474 = vector.broadcast %squeeze3A : f32 to vector<16xf32>
          %parallel_loop3A_475 = arith.mulf %parallel_loop3A_474, %parallel_loop3A_473 : vector<16xf32>
          %parallel_loop3A_476 = arith.constant 8 : i32
          %parallel_loop3A_477 = arith.addi %parallel_loop3A_476, %scan3A_451 : i32
          %parallel_loop3A_478 = arith.index_cast %parallel_loop3A_477 : i32 to index
          %parallel_loop3A_479 = arith.index_cast %parallel_loop3A_469 : i32 to index
          %parallel_loop3A_480 = tpu.vector_load %arg11[%parallel_loop3A_478, %parallel_loop3A_479] {strides = array<i32>} : memref<16x1024xf32, #tpu.memory_space<vmem>>, vector<1x16xf32>,
          %parallel_loop3A_481 = vector.shape_cast %parallel_loop3A_480 : vector<1x16xf32> to vector<16xf32>
          %parallel_loop3A_482 = vector.broadcast %squeeze3A_463 : f32 to vector<16xf32>
          %parallel_loop3A_483 = arith.mulf %parallel_loop3A_482, %parallel_loop3A_481 : vector<16xf32>
          %parallel_loop3A_484 = arith.addf %parallel_loop3A_475, %parallel_loop3A_483 : vector<16xf32>
          %parallel_loop3A_485 = arith.index_cast %scan3A_451 : i32 to index
          %parallel_loop3A_486 = arith.index_cast %parallel_loop3A_469 : i32 to index
          %parallel_loop3A_487 = tpu.vector_load %arg11[%parallel_loop3A_485, %parallel_loop3A_486] {strides = array<i32>} : memref<16x1024xf32, #tpu.memory_space<vmem>>, vector<1x16xf32>,
          %parallel_loop3A_488 = vector.shape_cast %parallel_loop3A_487 : vector<1x16xf32> to vector<16xf32>
          %parallel_loop3A_489 = vector.shape_cast %parallel_loop3A_484 : vector<16xf32> to vector<1x16xf32>
          tpu.vector_store %arg11[%parallel_loop3A_485, %parallel_loop3A_486], %parallel_loop3A_489 {strides = array<i32>} : memref<16x1024xf32, #tpu.memory_space<vmem>>, vector<1x16xf32>,
        } {sc.loop_unroll_factor = 8 : i64, sc.parallel_access}
        %scan3A_466 = arith.constant 0 : i32
        scf.yield %scan3A_466 : i32
      }
      %scan3A_318 = arith.constant 8 : i32
      %mul3A_319 = arith.constant 8 : i32
      %mul3A_320 = arith.muli %add3A_305, %mul3A_319 : i32
      %add3A_321 = arith.addi %mul3A_2, %mul3A_320 : i32
      %dma_start3A_322 = arith.constant 0 : i32
      %dma_start3A_323 = arith.constant 0 : i32
      %dma_start3A_324 = tpu.memref_slice %arg11[%dma_start3A_322, %dma_start3A_323] : memref<16x1024xf32, #tpu.memory_space<vmem>> -> memref<8x1024xf32, #tpu.memory_space<vmem>>
      %dma_start3A_325 = arith.constant 0 : i32
      %dma_start3A_326 = tpu.memref_slice %arg5[%add3A_321, %dma_start3A_325] : memref<4096x1024xf32, #tpu.memory_space<hbm>> -> memref<8x1024xf32, #tpu.memory_space<hbm>>
      %dma_start3A_327 = arith.constant 0 : i32
      %dma_start3A_328 = tpu.memref_slice %arg5[%add3A_321, %dma_start3A_327] : memref<4096x1024xf32, #tpu.memory_space<hbm>> -> memref<8x1024xf32, #tpu.memory_space<hbm>>
      %dma_start3A_329 = arith.constant 0 : i32
      %dma_start3A_330 = arith.constant 0 : i32
      %dma_start3A_331 = tpu.memref_slice %arg11[%dma_start3A_329, %dma_start3A_330] : memref<16x1024xf32, #tpu.memory_space<vmem>> -> memref<8x1024xf32, #tpu.memory_space<vmem>>
      tpu.enqueue_dma source(%dma_start3A_331 : memref<8x1024xf32, #tpu.memory_space<vmem>>) target(%dma_start3A_328 : memref<8x1024xf32, #tpu.memory_space<hbm>>) target_semaphore(%arg25 : memref<!tpu.dma_semaphore, #tpu.memory_space<semaphore_mem>>)
      %add3A_332 = arith.constant 7 : i32
      %add3A_333 = arith.addi %add3A_305, %add3A_332 : i32
      %lt3A_334 = arith.constant 16 : i32
      %lt3A_335 = arith.cmpi slt, %add3A_333, %lt3A_334 : i32
      %convert_element_type3A_336 = arith.extui %lt3A_335 : i1 to i32
      %cond3A_337 = arith.constant 0 : i32
      %cond3A_338 = arith.cmpi ne, %convert_element_type3A_336, %cond3A_337 : i32
      scf.if %cond3A_338 {
        %mul3A_451 = arith.constant 8 : i32
        %mul3A_452 = arith.muli %add3A_305, %mul3A_451 : i32
        %add3A_453 = arith.addi %mul3A_2, %mul3A_452 : i32
        %dma_wait3A_454 = arith.constant 0 : i32
        %dma_wait3A_455 = arith.constant 0 : i32
        %dma_wait3A_456 = tpu.memref_slice %arg11[%dma_wait3A_454, %dma_wait3A_455] : memref<16x1024xf32, #tpu.memory_space<vmem>> -> memref<8x1024xf32, #tpu.memory_space<vmem>>
        %dma_wait3A_457 = arith.constant 0 : i32
        %dma_wait3A_458 = tpu.memref_slice %arg5[%add3A_453, %dma_wait3A_457] : memref<4096x1024xf32, #tpu.memory_space<hbm>> -> memref<8x1024xf32, #tpu.memory_space<hbm>>
        %dma_wait3A_459 = arith.constant 0 : i32
        %dma_wait3A_460 = tpu.memref_slice %arg5[%add3A_453, %dma_wait3A_459] : memref<4096x1024xf32, #tpu.memory_space<hbm>> -> memref<8x1024xf32, #tpu.memory_space<hbm>>
        %dma_wait3A_461 = arith.constant 0 : i32
        %dma_wait3A_462 = arith.constant 0 : i32
        %dma_wait3A_463 = tpu.memref_slice %arg11[%dma_wait3A_461, %dma_wait3A_462] : memref<16x1024xf32, #tpu.memory_space<vmem>> -> memref<8x1024xf32, #tpu.memory_space<vmem>>
        tpu.wait_dma2 semaphore(%arg25 : memref<!tpu.dma_semaphore, #tpu.memory_space<semaphore_mem>>) src(%dma_wait3A_463 : memref<8x1024xf32, #tpu.memory_space<vmem>>) dst(%dma_wait3A_460 : memref<8x1024xf32, #tpu.memory_space<hbm>>)
        %add3A_464 = arith.constant 7 : i32
        %add3A_465 = arith.addi %add3A_305, %add3A_464 : i32
        %dma_start3A_466 = arith.constant 0 : i32
        %dma_start3A_467 = tpu.memref_slice %arg6[%add3A_465, %dma_start3A_466] : memref<16x16xi32, #tpu.memory_space<vmem>> -> memref<1x16xi32, #tpu.memory_space<vmem>>
        %dma_start3A_468 = tpu.memref_squeeze %dma_start3A_467 : memref<1x16xi32, #tpu.memory_space<vmem>> -> memref<16xi32, #tpu.memory_space<vmem>>
        %dma_start3A_469 = arith.constant 0 : i32
        %dma_start3A_470 = arith.constant 0 : i32
        %dma_start3A_471 = tpu.memref_slice %arg2[%dma_start3A_469, %dma_start3A_470] : memref<32768x1024xf32, #tpu.memory_space<hbm>> -> memref<32768x1024xf32, #tpu.memory_space<hbm>>
        tpu.enqueue_indirect_dma source(%dma_start3A_471 : memref<32768x1024xf32, #tpu.memory_space<hbm>>) target(%arg11 : memref<16x1024xf32, #tpu.memory_space<vmem>>) offsets(%dma_start3A_468 : memref<16xi32, #tpu.memory_space<vmem>>) semaphore(%arg18 : memref<!tpu.dma_semaphore, #tpu.memory_space<semaphore_mem>>)
      } else {
      }
      %mul3A_339 = arith.constant 7 : i32
      %mul3A_340 = arith.muli %scan3A_192, %mul3A_339 : i32
      %add3A_341 = arith.constant 4 : i32
      %add3A_342 = arith.addi %mul3A_340, %add3A_341 : i32
      %dma_wait3A_343 = arith.constant 0 : i32
      %dma_wait3A_344 = tpu.memref_slice %arg6[%add3A_342, %dma_wait3A_343] : memref<16x16xi32, #tpu.memory_space<vmem>> -> memref<1x16xi32, #tpu.memory_space<vmem>>
      %dma_wait3A_345 = tpu.memref_squeeze %dma_wait3A_344 : memref<1x16xi32, #tpu.memory_space<vmem>> -> memref<16xi32, #tpu.memory_space<vmem>>
      %dma_wait3A_346 = arith.constant 0 : i32
      %dma_wait3A_347 = arith.constant 0 : i32
      %dma_wait3A_348 = tpu.memref_slice %arg2[%dma_wait3A_346, %dma_wait3A_347] : memref<32768x1024xf32, #tpu.memory_space<hbm>> -> memref<32768x1024xf32, #tpu.memory_space<hbm>>
      tpu.wait_indirect_dma semaphore(%arg19 : memref<!tpu.dma_semaphore, #tpu.memory_space<semaphore_mem>>) src(%dma_wait3A_348 : memref<32768x1024xf32, #tpu.memory_space<hbm>>) dst(%arg12 : memref<16x1024xf32, #tpu.memory_space<vmem>>)
      %scan3A_349 = arith.constant 0 : i32
      %scan3A_350 = arith.constant 0 : i32
      %scan3A_351 = arith.constant 8 : i32
      %scan3A_352 = arith.addi %scan3A_350, %scan3A_351 : i32
      %scan3A_353 = arith.constant 1 : i32
      %scan3A_354 = scf.for %scan3A_451 = %scan3A_350 to %scan3A_352 step %scan3A_353 iter_args(%scan3A_452 = %scan3A_349) -> (i32)  : i32 {
        %get3A = arith.index_cast %add3A_342 : i32 to index
        %get3A_453 = arith.index_cast %scan3A_451 : i32 to index
        %get3A_454 = tpu.vector_load %arg7[%get3A, %get3A_453] {strides = array<i32>} : memref<16x32xf32, #tpu.memory_space<vmem>>, vector<1x16xf32>,
        %get3A_455 = vector.shape_cast %get3A_454 : vector<1x16xf32> to vector<16xf32>
        %add3A_456 = arith.constant 8 : i32
        %add3A_457 = arith.addi %add3A_456, %scan3A_451 : i32
        %get3A_458 = arith.index_cast %add3A_342 : i32 to index
        %get3A_459 = arith.index_cast %add3A_457 : i32 to index
        %get3A_460 = tpu.vector_load %arg7[%get3A_458, %get3A_459] {strides = array<i32>} : memref<16x32xf32, #tpu.memory_space<vmem>>, vector<1x16xf32>,
        %get3A_461 = vector.shape_cast %get3A_460 : vector<1x16xf32> to vector<16xf32>
        %slice3A = vector.extract_strided_slice %get3A_455 {offsets = [0], sizes = [1], strides = [1]} : vector<16xf32> to vector<1xf32>
        %squeeze3A = vector.extract %slice3A[0] : f32 from vector<1xf32>
        %slice3A_462 = vector.extract_strided_slice %get3A_461 {offsets = [0], sizes = [1], strides = [1]} : vector<16xf32> to vector<1xf32>
        %squeeze3A_463 = vector.extract %slice3A_462[0] : f32 from vector<1xf32>
        %parallel_loop3A = arith.constant 0 : i32
        %parallel_loop3A_464 = arith.constant 64 : i32
        %parallel_loop3A_465 = arith.constant 1 : i32
        scf.for %parallel_loop3A_467 = %parallel_loop3A to %parallel_loop3A_464 step %parallel_loop3A_465  : i32 {
          %parallel_loop3A_468 = arith.constant 16 : i32
          %parallel_loop3A_469 = arith.muli %parallel_loop3A_467, %parallel_loop3A_468 : i32
          %parallel_loop3A_470 = arith.index_cast %scan3A_451 : i32 to index
          %parallel_loop3A_471 = arith.index_cast %parallel_loop3A_469 : i32 to index
          %parallel_loop3A_472 = tpu.vector_load %arg12[%parallel_loop3A_470, %parallel_loop3A_471] {strides = array<i32>} : memref<16x1024xf32, #tpu.memory_space<vmem>>, vector<1x16xf32>,
          %parallel_loop3A_473 = vector.shape_cast %parallel_loop3A_472 : vector<1x16xf32> to vector<16xf32>
          %parallel_loop3A_474 = vector.broadcast %squeeze3A : f32 to vector<16xf32>
          %parallel_loop3A_475 = arith.mulf %parallel_loop3A_474, %parallel_loop3A_473 : vector<16xf32>
          %parallel_loop3A_476 = arith.constant 8 : i32
          %parallel_loop3A_477 = arith.addi %parallel_loop3A_476, %scan3A_451 : i32
          %parallel_loop3A_478 = arith.index_cast %parallel_loop3A_477 : i32 to index
          %parallel_loop3A_479 = arith.index_cast %parallel_loop3A_469 : i32 to index
          %parallel_loop3A_480 = tpu.vector_load %arg12[%parallel_loop3A_478, %parallel_loop3A_479] {strides = array<i32>} : memref<16x1024xf32, #tpu.memory_space<vmem>>, vector<1x16xf32>,
          %parallel_loop3A_481 = vector.shape_cast %parallel_loop3A_480 : vector<1x16xf32> to vector<16xf32>
          %parallel_loop3A_482 = vector.broadcast %squeeze3A_463 : f32 to vector<16xf32>
          %parallel_loop3A_483 = arith.mulf %parallel_loop3A_482, %parallel_loop3A_481 : vector<16xf32>
          %parallel_loop3A_484 = arith.addf %parallel_loop3A_475, %parallel_loop3A_483 : vector<16xf32>
          %parallel_loop3A_485 = arith.index_cast %scan3A_451 : i32 to index
          %parallel_loop3A_486 = arith.index_cast %parallel_loop3A_469 : i32 to index
          %parallel_loop3A_487 = tpu.vector_load %arg12[%parallel_loop3A_485, %parallel_loop3A_486] {strides = array<i32>} : memref<16x1024xf32, #tpu.memory_space<vmem>>, vector<1x16xf32>,
          %parallel_loop3A_488 = vector.shape_cast %parallel_loop3A_487 : vector<1x16xf32> to vector<16xf32>
          %parallel_loop3A_489 = vector.shape_cast %parallel_loop3A_484 : vector<16xf32> to vector<1x16xf32>
          tpu.vector_store %arg12[%parallel_loop3A_485, %parallel_loop3A_486], %parallel_loop3A_489 {strides = array<i32>} : memref<16x1024xf32, #tpu.memory_space<vmem>>, vector<1x16xf32>,
        } {sc.loop_unroll_factor = 8 : i64, sc.parallel_access}
        %scan3A_466 = arith.constant 0 : i32
        scf.yield %scan3A_466 : i32
      }
      %scan3A_355 = arith.constant 8 : i32
      %mul3A_356 = arith.constant 8 : i32
      %mul3A_357 = arith.muli %add3A_342, %mul3A_356 : i32
      %add3A_358 = arith.addi %mul3A_2, %mul3A_357 : i32
      %dma_start3A_359 = arith.constant 0 : i32
      %dma_start3A_360 = arith.constant 0 : i32
      %dma_start3A_361 = tpu.memref_slice %arg12[%dma_start3A_359, %dma_start3A_360] : memref<16x1024xf32, #tpu.memory_space<vmem>> -> memref<8x1024xf32, #tpu.memory_space<vmem>>
      %dma_start3A_362 = arith.constant 0 : i32
      %dma_start3A_363 = tpu.memref_slice %arg5[%add3A_358, %dma_start3A_362] : memref<4096x1024xf32, #tpu.memory_space<hbm>> -> memref<8x1024xf32, #tpu.memory_space<hbm>>
      %dma_start3A_364 = arith.constant 0 : i32
      %dma_start3A_365 = tpu.memref_slice %arg5[%add3A_358, %dma_start3A_364] : memref<4096x1024xf32, #tpu.memory_space<hbm>> -> memref<8x1024xf32, #tpu.memory_space<hbm>>
      %dma_start3A_366 = arith.constant 0 : i32
      %dma_start3A_367 = arith.constant 0 : i32
      %dma_start3A_368 = tpu.memref_slice %arg12[%dma_start3A_366, %dma_start3A_367] : memref<16x1024xf32, #tpu.memory_space<vmem>> -> memref<8x1024xf32, #tpu.memory_space<vmem>>
      tpu.enqueue_dma source(%dma_start3A_368 : memref<8x1024xf32, #tpu.memory_space<vmem>>) target(%dma_start3A_365 : memref<8x1024xf32, #tpu.memory_space<hbm>>) target_semaphore(%arg26 : memref<!tpu.dma_semaphore, #tpu.memory_space<semaphore_mem>>)
      %add3A_369 = arith.constant 7 : i32
      %add3A_370 = arith.addi %add3A_342, %add3A_369 : i32
      %lt3A_371 = arith.constant 16 : i32
      %lt3A_372 = arith.cmpi slt, %add3A_370, %lt3A_371 : i32
      %convert_element_type3A_373 = arith.extui %lt3A_372 : i1 to i32
      %cond3A_374 = arith.constant 0 : i32
      %cond3A_375 = arith.cmpi ne, %convert_element_type3A_373, %cond3A_374 : i32
      scf.if %cond3A_375 {
        %mul3A_451 = arith.constant 8 : i32
        %mul3A_452 = arith.muli %add3A_342, %mul3A_451 : i32
        %add3A_453 = arith.addi %mul3A_2, %mul3A_452 : i32
        %dma_wait3A_454 = arith.constant 0 : i32
        %dma_wait3A_455 = arith.constant 0 : i32
        %dma_wait3A_456 = tpu.memref_slice %arg12[%dma_wait3A_454, %dma_wait3A_455] : memref<16x1024xf32, #tpu.memory_space<vmem>> -> memref<8x1024xf32, #tpu.memory_space<vmem>>
        %dma_wait3A_457 = arith.constant 0 : i32
        %dma_wait3A_458 = tpu.memref_slice %arg5[%add3A_453, %dma_wait3A_457] : memref<4096x1024xf32, #tpu.memory_space<hbm>> -> memref<8x1024xf32, #tpu.memory_space<hbm>>
        %dma_wait3A_459 = arith.constant 0 : i32
        %dma_wait3A_460 = tpu.memref_slice %arg5[%add3A_453, %dma_wait3A_459] : memref<4096x1024xf32, #tpu.memory_space<hbm>> -> memref<8x1024xf32, #tpu.memory_space<hbm>>
        %dma_wait3A_461 = arith.constant 0 : i32
        %dma_wait3A_462 = arith.constant 0 : i32
        %dma_wait3A_463 = tpu.memref_slice %arg12[%dma_wait3A_461, %dma_wait3A_462] : memref<16x1024xf32, #tpu.memory_space<vmem>> -> memref<8x1024xf32, #tpu.memory_space<vmem>>
        tpu.wait_dma2 semaphore(%arg26 : memref<!tpu.dma_semaphore, #tpu.memory_space<semaphore_mem>>) src(%dma_wait3A_463 : memref<8x1024xf32, #tpu.memory_space<vmem>>) dst(%dma_wait3A_460 : memref<8x1024xf32, #tpu.memory_space<hbm>>)
        %add3A_464 = arith.constant 7 : i32
        %add3A_465 = arith.addi %add3A_342, %add3A_464 : i32
        %dma_start3A_466 = arith.constant 0 : i32
        %dma_start3A_467 = tpu.memref_slice %arg6[%add3A_465, %dma_start3A_466] : memref<16x16xi32, #tpu.memory_space<vmem>> -> memref<1x16xi32, #tpu.memory_space<vmem>>
        %dma_start3A_468 = tpu.memref_squeeze %dma_start3A_467 : memref<1x16xi32, #tpu.memory_space<vmem>> -> memref<16xi32, #tpu.memory_space<vmem>>
        %dma_start3A_469 = arith.constant 0 : i32
        %dma_start3A_470 = arith.constant 0 : i32
        %dma_start3A_471 = tpu.memref_slice %arg2[%dma_start3A_469, %dma_start3A_470] : memref<32768x1024xf32, #tpu.memory_space<hbm>> -> memref<32768x1024xf32, #tpu.memory_space<hbm>>
        tpu.enqueue_indirect_dma source(%dma_start3A_471 : memref<32768x1024xf32, #tpu.memory_space<hbm>>) target(%arg12 : memref<16x1024xf32, #tpu.memory_space<vmem>>) offsets(%dma_start3A_468 : memref<16xi32, #tpu.memory_space<vmem>>) semaphore(%arg19 : memref<!tpu.dma_semaphore, #tpu.memory_space<semaphore_mem>>)
      } else {
      }
      %mul3A_376 = arith.constant 7 : i32
      %mul3A_377 = arith.muli %scan3A_192, %mul3A_376 : i32
      %add3A_378 = arith.constant 5 : i32
      %add3A_379 = arith.addi %mul3A_377, %add3A_378 : i32
      %dma_wait3A_380 = arith.constant 0 : i32
      %dma_wait3A_381 = tpu.memref_slice %arg6[%add3A_379, %dma_wait3A_380] : memref<16x16xi32, #tpu.memory_space<vmem>> -> memref<1x16xi32, #tpu.memory_space<vmem>>
      %dma_wait3A_382 = tpu.memref_squeeze %dma_wait3A_381 : memref<1x16xi32, #tpu.memory_space<vmem>> -> memref<16xi32, #tpu.memory_space<vmem>>
      %dma_wait3A_383 = arith.constant 0 : i32
      %dma_wait3A_384 = arith.constant 0 : i32
      %dma_wait3A_385 = tpu.memref_slice %arg2[%dma_wait3A_383, %dma_wait3A_384] : memref<32768x1024xf32, #tpu.memory_space<hbm>> -> memref<32768x1024xf32, #tpu.memory_space<hbm>>
      tpu.wait_indirect_dma semaphore(%arg20 : memref<!tpu.dma_semaphore, #tpu.memory_space<semaphore_mem>>) src(%dma_wait3A_385 : memref<32768x1024xf32, #tpu.memory_space<hbm>>) dst(%arg13 : memref<16x1024xf32, #tpu.memory_space<vmem>>)
      %scan3A_386 = arith.constant 0 : i32
      %scan3A_387 = arith.constant 0 : i32
      %scan3A_388 = arith.constant 8 : i32
      %scan3A_389 = arith.addi %scan3A_387, %scan3A_388 : i32
      %scan3A_390 = arith.constant 1 : i32
      %scan3A_391 = scf.for %scan3A_451 = %scan3A_387 to %scan3A_389 step %scan3A_390 iter_args(%scan3A_452 = %scan3A_386) -> (i32)  : i32 {
        %get3A = arith.index_cast %add3A_379 : i32 to index
        %get3A_453 = arith.index_cast %scan3A_451 : i32 to index
        %get3A_454 = tpu.vector_load %arg7[%get3A, %get3A_453] {strides = array<i32>} : memref<16x32xf32, #tpu.memory_space<vmem>>, vector<1x16xf32>,
        %get3A_455 = vector.shape_cast %get3A_454 : vector<1x16xf32> to vector<16xf32>
        %add3A_456 = arith.constant 8 : i32
        %add3A_457 = arith.addi %add3A_456, %scan3A_451 : i32
        %get3A_458 = arith.index_cast %add3A_379 : i32 to index
        %get3A_459 = arith.index_cast %add3A_457 : i32 to index
        %get3A_460 = tpu.vector_load %arg7[%get3A_458, %get3A_459] {strides = array<i32>} : memref<16x32xf32, #tpu.memory_space<vmem>>, vector<1x16xf32>,
        %get3A_461 = vector.shape_cast %get3A_460 : vector<1x16xf32> to vector<16xf32>
        %slice3A = vector.extract_strided_slice %get3A_455 {offsets = [0], sizes = [1], strides = [1]} : vector<16xf32> to vector<1xf32>
        %squeeze3A = vector.extract %slice3A[0] : f32 from vector<1xf32>
        %slice3A_462 = vector.extract_strided_slice %get3A_461 {offsets = [0], sizes = [1], strides = [1]} : vector<16xf32> to vector<1xf32>
        %squeeze3A_463 = vector.extract %slice3A_462[0] : f32 from vector<1xf32>
        %parallel_loop3A = arith.constant 0 : i32
        %parallel_loop3A_464 = arith.constant 64 : i32
        %parallel_loop3A_465 = arith.constant 1 : i32
        scf.for %parallel_loop3A_467 = %parallel_loop3A to %parallel_loop3A_464 step %parallel_loop3A_465  : i32 {
          %parallel_loop3A_468 = arith.constant 16 : i32
          %parallel_loop3A_469 = arith.muli %parallel_loop3A_467, %parallel_loop3A_468 : i32
          %parallel_loop3A_470 = arith.index_cast %scan3A_451 : i32 to index
          %parallel_loop3A_471 = arith.index_cast %parallel_loop3A_469 : i32 to index
          %parallel_loop3A_472 = tpu.vector_load %arg13[%parallel_loop3A_470, %parallel_loop3A_471] {strides = array<i32>} : memref<16x1024xf32, #tpu.memory_space<vmem>>, vector<1x16xf32>,
          %parallel_loop3A_473 = vector.shape_cast %parallel_loop3A_472 : vector<1x16xf32> to vector<16xf32>
          %parallel_loop3A_474 = vector.broadcast %squeeze3A : f32 to vector<16xf32>
          %parallel_loop3A_475 = arith.mulf %parallel_loop3A_474, %parallel_loop3A_473 : vector<16xf32>
          %parallel_loop3A_476 = arith.constant 8 : i32
          %parallel_loop3A_477 = arith.addi %parallel_loop3A_476, %scan3A_451 : i32
          %parallel_loop3A_478 = arith.index_cast %parallel_loop3A_477 : i32 to index
          %parallel_loop3A_479 = arith.index_cast %parallel_loop3A_469 : i32 to index
          %parallel_loop3A_480 = tpu.vector_load %arg13[%parallel_loop3A_478, %parallel_loop3A_479] {strides = array<i32>} : memref<16x1024xf32, #tpu.memory_space<vmem>>, vector<1x16xf32>,
          %parallel_loop3A_481 = vector.shape_cast %parallel_loop3A_480 : vector<1x16xf32> to vector<16xf32>
          %parallel_loop3A_482 = vector.broadcast %squeeze3A_463 : f32 to vector<16xf32>
          %parallel_loop3A_483 = arith.mulf %parallel_loop3A_482, %parallel_loop3A_481 : vector<16xf32>
          %parallel_loop3A_484 = arith.addf %parallel_loop3A_475, %parallel_loop3A_483 : vector<16xf32>
          %parallel_loop3A_485 = arith.index_cast %scan3A_451 : i32 to index
          %parallel_loop3A_486 = arith.index_cast %parallel_loop3A_469 : i32 to index
          %parallel_loop3A_487 = tpu.vector_load %arg13[%parallel_loop3A_485, %parallel_loop3A_486] {strides = array<i32>} : memref<16x1024xf32, #tpu.memory_space<vmem>>, vector<1x16xf32>,
          %parallel_loop3A_488 = vector.shape_cast %parallel_loop3A_487 : vector<1x16xf32> to vector<16xf32>
          %parallel_loop3A_489 = vector.shape_cast %parallel_loop3A_484 : vector<16xf32> to vector<1x16xf32>
          tpu.vector_store %arg13[%parallel_loop3A_485, %parallel_loop3A_486], %parallel_loop3A_489 {strides = array<i32>} : memref<16x1024xf32, #tpu.memory_space<vmem>>, vector<1x16xf32>,
        } {sc.loop_unroll_factor = 8 : i64, sc.parallel_access}
        %scan3A_466 = arith.constant 0 : i32
        scf.yield %scan3A_466 : i32
      }
      %scan3A_392 = arith.constant 8 : i32
      %mul3A_393 = arith.constant 8 : i32
      %mul3A_394 = arith.muli %add3A_379, %mul3A_393 : i32
      %add3A_395 = arith.addi %mul3A_2, %mul3A_394 : i32
      %dma_start3A_396 = arith.constant 0 : i32
      %dma_start3A_397 = arith.constant 0 : i32
      %dma_start3A_398 = tpu.memref_slice %arg13[%dma_start3A_396, %dma_start3A_397] : memref<16x1024xf32, #tpu.memory_space<vmem>> -> memref<8x1024xf32, #tpu.memory_space<vmem>>
      %dma_start3A_399 = arith.constant 0 : i32
      %dma_start3A_400 = tpu.memref_slice %arg5[%add3A_395, %dma_start3A_399] : memref<4096x1024xf32, #tpu.memory_space<hbm>> -> memref<8x1024xf32, #tpu.memory_space<hbm>>
      %dma_start3A_401 = arith.constant 0 : i32
      %dma_start3A_402 = tpu.memref_slice %arg5[%add3A_395, %dma_start3A_401] : memref<4096x1024xf32, #tpu.memory_space<hbm>> -> memref<8x1024xf32, #tpu.memory_space<hbm>>
      %dma_start3A_403 = arith.constant 0 : i32
      %dma_start3A_404 = arith.constant 0 : i32
      %dma_start3A_405 = tpu.memref_slice %arg13[%dma_start3A_403, %dma_start3A_404] : memref<16x1024xf32, #tpu.memory_space<vmem>> -> memref<8x1024xf32, #tpu.memory_space<vmem>>
      tpu.enqueue_dma source(%dma_start3A_405 : memref<8x1024xf32, #tpu.memory_space<vmem>>) target(%dma_start3A_402 : memref<8x1024xf32, #tpu.memory_space<hbm>>) target_semaphore(%arg27 : memref<!tpu.dma_semaphore, #tpu.memory_space<semaphore_mem>>)
      %add3A_406 = arith.constant 7 : i32
      %add3A_407 = arith.addi %add3A_379, %add3A_406 : i32
      %lt3A_408 = arith.constant 16 : i32
      %lt3A_409 = arith.cmpi slt, %add3A_407, %lt3A_408 : i32
      %convert_element_type3A_410 = arith.extui %lt3A_409 : i1 to i32
      %cond3A_411 = arith.constant 0 : i32
      %cond3A_412 = arith.cmpi ne, %convert_element_type3A_410, %cond3A_411 : i32
      scf.if %cond3A_412 {
        %mul3A_451 = arith.constant 8 : i32
        %mul3A_452 = arith.muli %add3A_379, %mul3A_451 : i32
        %add3A_453 = arith.addi %mul3A_2, %mul3A_452 : i32
        %dma_wait3A_454 = arith.constant 0 : i32
        %dma_wait3A_455 = arith.constant 0 : i32
        %dma_wait3A_456 = tpu.memref_slice %arg13[%dma_wait3A_454, %dma_wait3A_455] : memref<16x1024xf32, #tpu.memory_space<vmem>> -> memref<8x1024xf32, #tpu.memory_space<vmem>>
        %dma_wait3A_457 = arith.constant 0 : i32
        %dma_wait3A_458 = tpu.memref_slice %arg5[%add3A_453, %dma_wait3A_457] : memref<4096x1024xf32, #tpu.memory_space<hbm>> -> memref<8x1024xf32, #tpu.memory_space<hbm>>
        %dma_wait3A_459 = arith.constant 0 : i32
        %dma_wait3A_460 = tpu.memref_slice %arg5[%add3A_453, %dma_wait3A_459] : memref<4096x1024xf32, #tpu.memory_space<hbm>> -> memref<8x1024xf32, #tpu.memory_space<hbm>>
        %dma_wait3A_461 = arith.constant 0 : i32
        %dma_wait3A_462 = arith.constant 0 : i32
        %dma_wait3A_463 = tpu.memref_slice %arg13[%dma_wait3A_461, %dma_wait3A_462] : memref<16x1024xf32, #tpu.memory_space<vmem>> -> memref<8x1024xf32, #tpu.memory_space<vmem>>
        tpu.wait_dma2 semaphore(%arg27 : memref<!tpu.dma_semaphore, #tpu.memory_space<semaphore_mem>>) src(%dma_wait3A_463 : memref<8x1024xf32, #tpu.memory_space<vmem>>) dst(%dma_wait3A_460 : memref<8x1024xf32, #tpu.memory_space<hbm>>)
        %add3A_464 = arith.constant 7 : i32
        %add3A_465 = arith.addi %add3A_379, %add3A_464 : i32
        %dma_start3A_466 = arith.constant 0 : i32
        %dma_start3A_467 = tpu.memref_slice %arg6[%add3A_465, %dma_start3A_466] : memref<16x16xi32, #tpu.memory_space<vmem>> -> memref<1x16xi32, #tpu.memory_space<vmem>>
        %dma_start3A_468 = tpu.memref_squeeze %dma_start3A_467 : memref<1x16xi32, #tpu.memory_space<vmem>> -> memref<16xi32, #tpu.memory_space<vmem>>
        %dma_start3A_469 = arith.constant 0 : i32
        %dma_start3A_470 = arith.constant 0 : i32
        %dma_start3A_471 = tpu.memref_slice %arg2[%dma_start3A_469, %dma_start3A_470] : memref<32768x1024xf32, #tpu.memory_space<hbm>> -> memref<32768x1024xf32, #tpu.memory_space<hbm>>
        tpu.enqueue_indirect_dma source(%dma_start3A_471 : memref<32768x1024xf32, #tpu.memory_space<hbm>>) target(%arg13 : memref<16x1024xf32, #tpu.memory_space<vmem>>) offsets(%dma_start3A_468 : memref<16xi32, #tpu.memory_space<vmem>>) semaphore(%arg20 : memref<!tpu.dma_semaphore, #tpu.memory_space<semaphore_mem>>)
      } else {
      }
      %mul3A_413 = arith.constant 7 : i32
      %mul3A_414 = arith.muli %scan3A_192, %mul3A_413 : i32
      %add3A_415 = arith.constant 6 : i32
      %add3A_416 = arith.addi %mul3A_414, %add3A_415 : i32
      %dma_wait3A_417 = arith.constant 0 : i32
      %dma_wait3A_418 = tpu.memref_slice %arg6[%add3A_416, %dma_wait3A_417] : memref<16x16xi32, #tpu.memory_space<vmem>> -> memref<1x16xi32, #tpu.memory_space<vmem>>
      %dma_wait3A_419 = tpu.memref_squeeze %dma_wait3A_418 : memref<1x16xi32, #tpu.memory_space<vmem>> -> memref<16xi32, #tpu.memory_space<vmem>>
      %dma_wait3A_420 = arith.constant 0 : i32
      %dma_wait3A_421 = arith.constant 0 : i32
      %dma_wait3A_422 = tpu.memref_slice %arg2[%dma_wait3A_420, %dma_wait3A_421] : memref<32768x1024xf32, #tpu.memory_space<hbm>> -> memref<32768x1024xf32, #tpu.memory_space<hbm>>
      tpu.wait_indirect_dma semaphore(%arg21 : memref<!tpu.dma_semaphore, #tpu.memory_space<semaphore_mem>>) src(%dma_wait3A_422 : memref<32768x1024xf32, #tpu.memory_space<hbm>>) dst(%arg14 : memref<16x1024xf32, #tpu.memory_space<vmem>>)
      %scan3A_423 = arith.constant 0 : i32
      %scan3A_424 = arith.constant 0 : i32
      %scan3A_425 = arith.constant 8 : i32
      %scan3A_426 = arith.addi %scan3A_424, %scan3A_425 : i32
      %scan3A_427 = arith.constant 1 : i32
      %scan3A_428 = scf.for %scan3A_451 = %scan3A_424 to %scan3A_426 step %scan3A_427 iter_args(%scan3A_452 = %scan3A_423) -> (i32)  : i32 {
        %get3A = arith.index_cast %add3A_416 : i32 to index
        %get3A_453 = arith.index_cast %scan3A_451 : i32 to index
        %get3A_454 = tpu.vector_load %arg7[%get3A, %get3A_453] {strides = array<i32>} : memref<16x32xf32, #tpu.memory_space<vmem>>, vector<1x16xf32>,
        %get3A_455 = vector.shape_cast %get3A_454 : vector<1x16xf32> to vector<16xf32>
        %add3A_456 = arith.constant 8 : i32
        %add3A_457 = arith.addi %add3A_456, %scan3A_451 : i32
        %get3A_458 = arith.index_cast %add3A_416 : i32 to index
        %get3A_459 = arith.index_cast %add3A_457 : i32 to index
        %get3A_460 = tpu.vector_load %arg7[%get3A_458, %get3A_459] {strides = array<i32>} : memref<16x32xf32, #tpu.memory_space<vmem>>, vector<1x16xf32>,
        %get3A_461 = vector.shape_cast %get3A_460 : vector<1x16xf32> to vector<16xf32>
        %slice3A = vector.extract_strided_slice %get3A_455 {offsets = [0], sizes = [1], strides = [1]} : vector<16xf32> to vector<1xf32>
        %squeeze3A = vector.extract %slice3A[0] : f32 from vector<1xf32>
        %slice3A_462 = vector.extract_strided_slice %get3A_461 {offsets = [0], sizes = [1], strides = [1]} : vector<16xf32> to vector<1xf32>
        %squeeze3A_463 = vector.extract %slice3A_462[0] : f32 from vector<1xf32>
        %parallel_loop3A = arith.constant 0 : i32
        %parallel_loop3A_464 = arith.constant 64 : i32
        %parallel_loop3A_465 = arith.constant 1 : i32
        scf.for %parallel_loop3A_467 = %parallel_loop3A to %parallel_loop3A_464 step %parallel_loop3A_465  : i32 {
          %parallel_loop3A_468 = arith.constant 16 : i32
          %parallel_loop3A_469 = arith.muli %parallel_loop3A_467, %parallel_loop3A_468 : i32
          %parallel_loop3A_470 = arith.index_cast %scan3A_451 : i32 to index
          %parallel_loop3A_471 = arith.index_cast %parallel_loop3A_469 : i32 to index
          %parallel_loop3A_472 = tpu.vector_load %arg14[%parallel_loop3A_470, %parallel_loop3A_471] {strides = array<i32>} : memref<16x1024xf32, #tpu.memory_space<vmem>>, vector<1x16xf32>,
          %parallel_loop3A_473 = vector.shape_cast %parallel_loop3A_472 : vector<1x16xf32> to vector<16xf32>
          %parallel_loop3A_474 = vector.broadcast %squeeze3A : f32 to vector<16xf32>
          %parallel_loop3A_475 = arith.mulf %parallel_loop3A_474, %parallel_loop3A_473 : vector<16xf32>
          %parallel_loop3A_476 = arith.constant 8 : i32
          %parallel_loop3A_477 = arith.addi %parallel_loop3A_476, %scan3A_451 : i32
          %parallel_loop3A_478 = arith.index_cast %parallel_loop3A_477 : i32 to index
          %parallel_loop3A_479 = arith.index_cast %parallel_loop3A_469 : i32 to index
          %parallel_loop3A_480 = tpu.vector_load %arg14[%parallel_loop3A_478, %parallel_loop3A_479] {strides = array<i32>} : memref<16x1024xf32, #tpu.memory_space<vmem>>, vector<1x16xf32>,
          %parallel_loop3A_481 = vector.shape_cast %parallel_loop3A_480 : vector<1x16xf32> to vector<16xf32>
          %parallel_loop3A_482 = vector.broadcast %squeeze3A_463 : f32 to vector<16xf32>
          %parallel_loop3A_483 = arith.mulf %parallel_loop3A_482, %parallel_loop3A_481 : vector<16xf32>
          %parallel_loop3A_484 = arith.addf %parallel_loop3A_475, %parallel_loop3A_483 : vector<16xf32>
          %parallel_loop3A_485 = arith.index_cast %scan3A_451 : i32 to index
          %parallel_loop3A_486 = arith.index_cast %parallel_loop3A_469 : i32 to index
          %parallel_loop3A_487 = tpu.vector_load %arg14[%parallel_loop3A_485, %parallel_loop3A_486] {strides = array<i32>} : memref<16x1024xf32, #tpu.memory_space<vmem>>, vector<1x16xf32>,
          %parallel_loop3A_488 = vector.shape_cast %parallel_loop3A_487 : vector<1x16xf32> to vector<16xf32>
          %parallel_loop3A_489 = vector.shape_cast %parallel_loop3A_484 : vector<16xf32> to vector<1x16xf32>
          tpu.vector_store %arg14[%parallel_loop3A_485, %parallel_loop3A_486], %parallel_loop3A_489 {strides = array<i32>} : memref<16x1024xf32, #tpu.memory_space<vmem>>, vector<1x16xf32>,
        } {sc.loop_unroll_factor = 8 : i64, sc.parallel_access}
        %scan3A_466 = arith.constant 0 : i32
        scf.yield %scan3A_466 : i32
      }
      %scan3A_429 = arith.constant 8 : i32
      %mul3A_430 = arith.constant 8 : i32
      %mul3A_431 = arith.muli %add3A_416, %mul3A_430 : i32
      %add3A_432 = arith.addi %mul3A_2, %mul3A_431 : i32
      %dma_start3A_433 = arith.constant 0 : i32
      %dma_start3A_434 = arith.constant 0 : i32
      %dma_start3A_435 = tpu.memref_slice %arg14[%dma_start3A_433, %dma_start3A_434] : memref<16x1024xf32, #tpu.memory_space<vmem>> -> memref<8x1024xf32, #tpu.memory_space<vmem>>
      %dma_start3A_436 = arith.constant 0 : i32
      %dma_start3A_437 = tpu.memref_slice %arg5[%add3A_432, %dma_start3A_436] : memref<4096x1024xf32, #tpu.memory_space<hbm>> -> memref<8x1024xf32, #tpu.memory_space<hbm>>
      %dma_start3A_438 = arith.constant 0 : i32
      %dma_start3A_439 = tpu.memref_slice %arg5[%add3A_432, %dma_start3A_438] : memref<4096x1024xf32, #tpu.memory_space<hbm>> -> memref<8x1024xf32, #tpu.memory_space<hbm>>
      %dma_start3A_440 = arith.constant 0 : i32
      %dma_start3A_441 = arith.constant 0 : i32
      %dma_start3A_442 = tpu.memref_slice %arg14[%dma_start3A_440, %dma_start3A_441] : memref<16x1024xf32, #tpu.memory_space<vmem>> -> memref<8x1024xf32, #tpu.memory_space<vmem>>
      tpu.enqueue_dma source(%dma_start3A_442 : memref<8x1024xf32, #tpu.memory_space<vmem>>) target(%dma_start3A_439 : memref<8x1024xf32, #tpu.memory_space<hbm>>) target_semaphore(%arg28 : memref<!tpu.dma_semaphore, #tpu.memory_space<semaphore_mem>>)
      %add3A_443 = arith.constant 7 : i32
      %add3A_444 = arith.addi %add3A_416, %add3A_443 : i32
      %lt3A_445 = arith.constant 16 : i32
      %lt3A_446 = arith.cmpi slt, %add3A_444, %lt3A_445 : i32
      %convert_element_type3A_447 = arith.extui %lt3A_446 : i1 to i32
      %cond3A_448 = arith.constant 0 : i32
      %cond3A_449 = arith.cmpi ne, %convert_element_type3A_447, %cond3A_448 : i32
      scf.if %cond3A_449 {
        %mul3A_451 = arith.constant 8 : i32
        %mul3A_452 = arith.muli %add3A_416, %mul3A_451 : i32
        %add3A_453 = arith.addi %mul3A_2, %mul3A_452 : i32
        %dma_wait3A_454 = arith.constant 0 : i32
        %dma_wait3A_455 = arith.constant 0 : i32
        %dma_wait3A_456 = tpu.memref_slice %arg14[%dma_wait3A_454, %dma_wait3A_455] : memref<16x1024xf32, #tpu.memory_space<vmem>> -> memref<8x1024xf32, #tpu.memory_space<vmem>>
        %dma_wait3A_457 = arith.constant 0 : i32
        %dma_wait3A_458 = tpu.memref_slice %arg5[%add3A_453, %dma_wait3A_457] : memref<4096x1024xf32, #tpu.memory_space<hbm>> -> memref<8x1024xf32, #tpu.memory_space<hbm>>
        %dma_wait3A_459 = arith.constant 0 : i32
        %dma_wait3A_460 = tpu.memref_slice %arg5[%add3A_453, %dma_wait3A_459] : memref<4096x1024xf32, #tpu.memory_space<hbm>> -> memref<8x1024xf32, #tpu.memory_space<hbm>>
        %dma_wait3A_461 = arith.constant 0 : i32
        %dma_wait3A_462 = arith.constant 0 : i32
        %dma_wait3A_463 = tpu.memref_slice %arg14[%dma_wait3A_461, %dma_wait3A_462] : memref<16x1024xf32, #tpu.memory_space<vmem>> -> memref<8x1024xf32, #tpu.memory_space<vmem>>
        tpu.wait_dma2 semaphore(%arg28 : memref<!tpu.dma_semaphore, #tpu.memory_space<semaphore_mem>>) src(%dma_wait3A_463 : memref<8x1024xf32, #tpu.memory_space<vmem>>) dst(%dma_wait3A_460 : memref<8x1024xf32, #tpu.memory_space<hbm>>)
        %add3A_464 = arith.constant 7 : i32
        %add3A_465 = arith.addi %add3A_416, %add3A_464 : i32
        %dma_start3A_466 = arith.constant 0 : i32
        %dma_start3A_467 = tpu.memref_slice %arg6[%add3A_465, %dma_start3A_466] : memref<16x16xi32, #tpu.memory_space<vmem>> -> memref<1x16xi32, #tpu.memory_space<vmem>>
        %dma_start3A_468 = tpu.memref_squeeze %dma_start3A_467 : memref<1x16xi32, #tpu.memory_space<vmem>> -> memref<16xi32, #tpu.memory_space<vmem>>
        %dma_start3A_469 = arith.constant 0 : i32
        %dma_start3A_470 = arith.constant 0 : i32
        %dma_start3A_471 = tpu.memref_slice %arg2[%dma_start3A_469, %dma_start3A_470] : memref<32768x1024xf32, #tpu.memory_space<hbm>> -> memref<32768x1024xf32, #tpu.memory_space<hbm>>
        tpu.enqueue_indirect_dma source(%dma_start3A_471 : memref<32768x1024xf32, #tpu.memory_space<hbm>>) target(%arg14 : memref<16x1024xf32, #tpu.memory_space<vmem>>) offsets(%dma_start3A_468 : memref<16xi32, #tpu.memory_space<vmem>>) semaphore(%arg21 : memref<!tpu.dma_semaphore, #tpu.memory_space<semaphore_mem>>)
      } else {
      }
      %scan3A_450 = arith.constant 0 : i32
      scf.yield %scan3A_450 : i32
    }
    %scan3A_56 = arith.constant 2 : i32
    %dma_wait3A = arith.constant 14 : i32
    %dma_wait3A_57 = arith.constant 0 : i32
    %dma_wait3A_58 = tpu.memref_slice %arg6[%dma_wait3A, %dma_wait3A_57] : memref<16x16xi32, #tpu.memory_space<vmem>> -> memref<1x16xi32, #tpu.memory_space<vmem>>
    %dma_wait3A_59 = tpu.memref_squeeze %dma_wait3A_58 : memref<1x16xi32, #tpu.memory_space<vmem>> -> memref<16xi32, #tpu.memory_space<vmem>>
    %dma_wait3A_60 = arith.constant 0 : i32
    %dma_wait3A_61 = arith.constant 0 : i32
    %dma_wait3A_62 = tpu.memref_slice %arg2[%dma_wait3A_60, %dma_wait3A_61] : memref<32768x1024xf32, #tpu.memory_space<hbm>> -> memref<32768x1024xf32, #tpu.memory_space<hbm>>
    tpu.wait_indirect_dma semaphore(%arg15 : memref<!tpu.dma_semaphore, #tpu.memory_space<semaphore_mem>>) src(%dma_wait3A_62 : memref<32768x1024xf32, #tpu.memory_space<hbm>>) dst(%arg8 : memref<16x1024xf32, #tpu.memory_space<vmem>>)
    %scan3A_63 = arith.constant 0 : i32
    %scan3A_64 = arith.constant 0 : i32
    %scan3A_65 = arith.constant 8 : i32
    %scan3A_66 = arith.addi %scan3A_64, %scan3A_65 : i32
    %scan3A_67 = arith.constant 1 : i32
    %scan3A_68 = scf.for %scan3A_192 = %scan3A_64 to %scan3A_66 step %scan3A_67 iter_args(%scan3A_193 = %scan3A_63) -> (i32)  : i32 {
      %get3A = arith.constant 14 : i32
      %get3A_194 = arith.index_cast %get3A : i32 to index
      %get3A_195 = arith.index_cast %scan3A_192 : i32 to index
      %get3A_196 = tpu.vector_load %arg7[%get3A_194, %get3A_195] {strides = array<i32>} : memref<16x32xf32, #tpu.memory_space<vmem>>, vector<1x16xf32>,
      %get3A_197 = vector.shape_cast %get3A_196 : vector<1x16xf32> to vector<16xf32>
      %add3A_198 = arith.constant 8 : i32
      %add3A_199 = arith.addi %add3A_198, %scan3A_192 : i32
      %get3A_200 = arith.constant 14 : i32
      %get3A_201 = arith.index_cast %get3A_200 : i32 to index
      %get3A_202 = arith.index_cast %add3A_199 : i32 to index
      %get3A_203 = tpu.vector_load %arg7[%get3A_201, %get3A_202] {strides = array<i32>} : memref<16x32xf32, #tpu.memory_space<vmem>>, vector<1x16xf32>,
      %get3A_204 = vector.shape_cast %get3A_203 : vector<1x16xf32> to vector<16xf32>
      %slice3A = vector.extract_strided_slice %get3A_197 {offsets = [0], sizes = [1], strides = [1]} : vector<16xf32> to vector<1xf32>
      %squeeze3A = vector.extract %slice3A[0] : f32 from vector<1xf32>
      %slice3A_205 = vector.extract_strided_slice %get3A_204 {offsets = [0], sizes = [1], strides = [1]} : vector<16xf32> to vector<1xf32>
      %squeeze3A_206 = vector.extract %slice3A_205[0] : f32 from vector<1xf32>
      %parallel_loop3A = arith.constant 0 : i32
      %parallel_loop3A_207 = arith.constant 64 : i32
      %parallel_loop3A_208 = arith.constant 1 : i32
      scf.for %parallel_loop3A_210 = %parallel_loop3A to %parallel_loop3A_207 step %parallel_loop3A_208  : i32 {
        %parallel_loop3A_211 = arith.constant 16 : i32
        %parallel_loop3A_212 = arith.muli %parallel_loop3A_210, %parallel_loop3A_211 : i32
        %parallel_loop3A_213 = arith.index_cast %scan3A_192 : i32 to index
        %parallel_loop3A_214 = arith.index_cast %parallel_loop3A_212 : i32 to index
        %parallel_loop3A_215 = tpu.vector_load %arg8[%parallel_loop3A_213, %parallel_loop3A_214] {strides = array<i32>} : memref<16x1024xf32, #tpu.memory_space<vmem>>, vector<1x16xf32>,
        %parallel_loop3A_216 = vector.shape_cast %parallel_loop3A_215 : vector<1x16xf32> to vector<16xf32>
        %parallel_loop3A_217 = vector.broadcast %squeeze3A : f32 to vector<16xf32>
        %parallel_loop3A_218 = arith.mulf %parallel_loop3A_217, %parallel_loop3A_216 : vector<16xf32>
        %parallel_loop3A_219 = arith.constant 8 : i32
        %parallel_loop3A_220 = arith.addi %parallel_loop3A_219, %scan3A_192 : i32
        %parallel_loop3A_221 = arith.index_cast %parallel_loop3A_220 : i32 to index
        %parallel_loop3A_222 = arith.index_cast %parallel_loop3A_212 : i32 to index
        %parallel_loop3A_223 = tpu.vector_load %arg8[%parallel_loop3A_221, %parallel_loop3A_222] {strides = array<i32>} : memref<16x1024xf32, #tpu.memory_space<vmem>>, vector<1x16xf32>,
        %parallel_loop3A_224 = vector.shape_cast %parallel_loop3A_223 : vector<1x16xf32> to vector<16xf32>
        %parallel_loop3A_225 = vector.broadcast %squeeze3A_206 : f32 to vector<16xf32>
        %parallel_loop3A_226 = arith.mulf %parallel_loop3A_225, %parallel_loop3A_224 : vector<16xf32>
        %parallel_loop3A_227 = arith.addf %parallel_loop3A_218, %parallel_loop3A_226 : vector<16xf32>
        %parallel_loop3A_228 = arith.index_cast %scan3A_192 : i32 to index
        %parallel_loop3A_229 = arith.index_cast %parallel_loop3A_212 : i32 to index
        %parallel_loop3A_230 = tpu.vector_load %arg8[%parallel_loop3A_228, %parallel_loop3A_229] {strides = array<i32>} : memref<16x1024xf32, #tpu.memory_space<vmem>>, vector<1x16xf32>,
        %parallel_loop3A_231 = vector.shape_cast %parallel_loop3A_230 : vector<1x16xf32> to vector<16xf32>
        %parallel_loop3A_232 = vector.shape_cast %parallel_loop3A_227 : vector<16xf32> to vector<1x16xf32>
        tpu.vector_store %arg8[%parallel_loop3A_228, %parallel_loop3A_229], %parallel_loop3A_232 {strides = array<i32>} : memref<16x1024xf32, #tpu.memory_space<vmem>>, vector<1x16xf32>,
      } {sc.loop_unroll_factor = 8 : i64, sc.parallel_access}
      %scan3A_209 = arith.constant 0 : i32
      scf.yield %scan3A_209 : i32
    }
    %scan3A_69 = arith.constant 8 : i32
    %add3A_70 = arith.constant 112 : i32
    %add3A_71 = arith.addi %mul3A_2, %add3A_70 : i32
    %dma_start3A_72 = arith.constant 0 : i32
    %dma_start3A_73 = arith.constant 0 : i32
    %dma_start3A_74 = tpu.memref_slice %arg8[%dma_start3A_72, %dma_start3A_73] : memref<16x1024xf32, #tpu.memory_space<vmem>> -> memref<8x1024xf32, #tpu.memory_space<vmem>>
    %dma_start3A_75 = arith.constant 0 : i32
    %dma_start3A_76 = tpu.memref_slice %arg5[%add3A_71, %dma_start3A_75] : memref<4096x1024xf32, #tpu.memory_space<hbm>> -> memref<8x1024xf32, #tpu.memory_space<hbm>>
    %dma_start3A_77 = arith.constant 0 : i32
    %dma_start3A_78 = tpu.memref_slice %arg5[%add3A_71, %dma_start3A_77] : memref<4096x1024xf32, #tpu.memory_space<hbm>> -> memref<8x1024xf32, #tpu.memory_space<hbm>>
    %dma_start3A_79 = arith.constant 0 : i32
    %dma_start3A_80 = arith.constant 0 : i32
    %dma_start3A_81 = tpu.memref_slice %arg8[%dma_start3A_79, %dma_start3A_80] : memref<16x1024xf32, #tpu.memory_space<vmem>> -> memref<8x1024xf32, #tpu.memory_space<vmem>>
    tpu.enqueue_dma source(%dma_start3A_81 : memref<8x1024xf32, #tpu.memory_space<vmem>>) target(%dma_start3A_78 : memref<8x1024xf32, #tpu.memory_space<hbm>>) target_semaphore(%arg22 : memref<!tpu.dma_semaphore, #tpu.memory_space<semaphore_mem>>)
    %dma_wait3A_82 = arith.constant 15 : i32
    %dma_wait3A_83 = arith.constant 0 : i32
    %dma_wait3A_84 = tpu.memref_slice %arg6[%dma_wait3A_82, %dma_wait3A_83] : memref<16x16xi32, #tpu.memory_space<vmem>> -> memref<1x16xi32, #tpu.memory_space<vmem>>
    %dma_wait3A_85 = tpu.memref_squeeze %dma_wait3A_84 : memref<1x16xi32, #tpu.memory_space<vmem>> -> memref<16xi32, #tpu.memory_space<vmem>>
    %dma_wait3A_86 = arith.constant 0 : i32
    %dma_wait3A_87 = arith.constant 0 : i32
    %dma_wait3A_88 = tpu.memref_slice %arg2[%dma_wait3A_86, %dma_wait3A_87] : memref<32768x1024xf32, #tpu.memory_space<hbm>> -> memref<32768x1024xf32, #tpu.memory_space<hbm>>
    tpu.wait_indirect_dma semaphore(%arg16 : memref<!tpu.dma_semaphore, #tpu.memory_space<semaphore_mem>>) src(%dma_wait3A_88 : memref<32768x1024xf32, #tpu.memory_space<hbm>>) dst(%arg9 : memref<16x1024xf32, #tpu.memory_space<vmem>>)
    %scan3A_89 = arith.constant 0 : i32
    %scan3A_90 = arith.constant 0 : i32
    %scan3A_91 = arith.constant 8 : i32
    %scan3A_92 = arith.addi %scan3A_90, %scan3A_91 : i32
    %scan3A_93 = arith.constant 1 : i32
    %scan3A_94 = scf.for %scan3A_192 = %scan3A_90 to %scan3A_92 step %scan3A_93 iter_args(%scan3A_193 = %scan3A_89) -> (i32)  : i32 {
      %get3A = arith.constant 15 : i32
      %get3A_194 = arith.index_cast %get3A : i32 to index
      %get3A_195 = arith.index_cast %scan3A_192 : i32 to index
      %get3A_196 = tpu.vector_load %arg7[%get3A_194, %get3A_195] {strides = array<i32>} : memref<16x32xf32, #tpu.memory_space<vmem>>, vector<1x16xf32>,
      %get3A_197 = vector.shape_cast %get3A_196 : vector<1x16xf32> to vector<16xf32>
      %add3A_198 = arith.constant 8 : i32
      %add3A_199 = arith.addi %add3A_198, %scan3A_192 : i32
      %get3A_200 = arith.constant 15 : i32
      %get3A_201 = arith.index_cast %get3A_200 : i32 to index
      %get3A_202 = arith.index_cast %add3A_199 : i32 to index
      %get3A_203 = tpu.vector_load %arg7[%get3A_201, %get3A_202] {strides = array<i32>} : memref<16x32xf32, #tpu.memory_space<vmem>>, vector<1x16xf32>,
      %get3A_204 = vector.shape_cast %get3A_203 : vector<1x16xf32> to vector<16xf32>
      %slice3A = vector.extract_strided_slice %get3A_197 {offsets = [0], sizes = [1], strides = [1]} : vector<16xf32> to vector<1xf32>
      %squeeze3A = vector.extract %slice3A[0] : f32 from vector<1xf32>
      %slice3A_205 = vector.extract_strided_slice %get3A_204 {offsets = [0], sizes = [1], strides = [1]} : vector<16xf32> to vector<1xf32>
      %squeeze3A_206 = vector.extract %slice3A_205[0] : f32 from vector<1xf32>
      %parallel_loop3A = arith.constant 0 : i32
      %parallel_loop3A_207 = arith.constant 64 : i32
      %parallel_loop3A_208 = arith.constant 1 : i32
      scf.for %parallel_loop3A_210 = %parallel_loop3A to %parallel_loop3A_207 step %parallel_loop3A_208  : i32 {
        %parallel_loop3A_211 = arith.constant 16 : i32
        %parallel_loop3A_212 = arith.muli %parallel_loop3A_210, %parallel_loop3A_211 : i32
        %parallel_loop3A_213 = arith.index_cast %scan3A_192 : i32 to index
        %parallel_loop3A_214 = arith.index_cast %parallel_loop3A_212 : i32 to index
        %parallel_loop3A_215 = tpu.vector_load %arg9[%parallel_loop3A_213, %parallel_loop3A_214] {strides = array<i32>} : memref<16x1024xf32, #tpu.memory_space<vmem>>, vector<1x16xf32>,
        %parallel_loop3A_216 = vector.shape_cast %parallel_loop3A_215 : vector<1x16xf32> to vector<16xf32>
        %parallel_loop3A_217 = vector.broadcast %squeeze3A : f32 to vector<16xf32>
        %parallel_loop3A_218 = arith.mulf %parallel_loop3A_217, %parallel_loop3A_216 : vector<16xf32>
        %parallel_loop3A_219 = arith.constant 8 : i32
        %parallel_loop3A_220 = arith.addi %parallel_loop3A_219, %scan3A_192 : i32
        %parallel_loop3A_221 = arith.index_cast %parallel_loop3A_220 : i32 to index
        %parallel_loop3A_222 = arith.index_cast %parallel_loop3A_212 : i32 to index
        %parallel_loop3A_223 = tpu.vector_load %arg9[%parallel_loop3A_221, %parallel_loop3A_222] {strides = array<i32>} : memref<16x1024xf32, #tpu.memory_space<vmem>>, vector<1x16xf32>,
        %parallel_loop3A_224 = vector.shape_cast %parallel_loop3A_223 : vector<1x16xf32> to vector<16xf32>
        %parallel_loop3A_225 = vector.broadcast %squeeze3A_206 : f32 to vector<16xf32>
        %parallel_loop3A_226 = arith.mulf %parallel_loop3A_225, %parallel_loop3A_224 : vector<16xf32>
        %parallel_loop3A_227 = arith.addf %parallel_loop3A_218, %parallel_loop3A_226 : vector<16xf32>
        %parallel_loop3A_228 = arith.index_cast %scan3A_192 : i32 to index
        %parallel_loop3A_229 = arith.index_cast %parallel_loop3A_212 : i32 to index
        %parallel_loop3A_230 = tpu.vector_load %arg9[%parallel_loop3A_228, %parallel_loop3A_229] {strides = array<i32>} : memref<16x1024xf32, #tpu.memory_space<vmem>>, vector<1x16xf32>,
        %parallel_loop3A_231 = vector.shape_cast %parallel_loop3A_230 : vector<1x16xf32> to vector<16xf32>
        %parallel_loop3A_232 = vector.shape_cast %parallel_loop3A_227 : vector<16xf32> to vector<1x16xf32>
        tpu.vector_store %arg9[%parallel_loop3A_228, %parallel_loop3A_229], %parallel_loop3A_232 {strides = array<i32>} : memref<16x1024xf32, #tpu.memory_space<vmem>>, vector<1x16xf32>,
      } {sc.loop_unroll_factor = 8 : i64, sc.parallel_access}
      %scan3A_209 = arith.constant 0 : i32
      scf.yield %scan3A_209 : i32
    }
    %scan3A_95 = arith.constant 8 : i32
    %add3A_96 = arith.constant 120 : i32
    %add3A_97 = arith.addi %mul3A_2, %add3A_96 : i32
    %dma_start3A_98 = arith.constant 0 : i32
    %dma_start3A_99 = arith.constant 0 : i32
    %dma_start3A_100 = tpu.memref_slice %arg9[%dma_start3A_98, %dma_start3A_99] : memref<16x1024xf32, #tpu.memory_space<vmem>> -> memref<8x1024xf32, #tpu.memory_space<vmem>>
    %dma_start3A_101 = arith.constant 0 : i32
    %dma_start3A_102 = tpu.memref_slice %arg5[%add3A_97, %dma_start3A_101] : memref<4096x1024xf32, #tpu.memory_space<hbm>> -> memref<8x1024xf32, #tpu.memory_space<hbm>>
    %dma_start3A_103 = arith.constant 0 : i32
    %dma_start3A_104 = tpu.memref_slice %arg5[%add3A_97, %dma_start3A_103] : memref<4096x1024xf32, #tpu.memory_space<hbm>> -> memref<8x1024xf32, #tpu.memory_space<hbm>>
    %dma_start3A_105 = arith.constant 0 : i32
    %dma_start3A_106 = arith.constant 0 : i32
    %dma_start3A_107 = tpu.memref_slice %arg9[%dma_start3A_105, %dma_start3A_106] : memref<16x1024xf32, #tpu.memory_space<vmem>> -> memref<8x1024xf32, #tpu.memory_space<vmem>>
    tpu.enqueue_dma source(%dma_start3A_107 : memref<8x1024xf32, #tpu.memory_space<vmem>>) target(%dma_start3A_104 : memref<8x1024xf32, #tpu.memory_space<hbm>>) target_semaphore(%arg23 : memref<!tpu.dma_semaphore, #tpu.memory_space<semaphore_mem>>)
    %add3A_108 = arith.constant 72 : i32
    %add3A_109 = arith.addi %mul3A_2, %add3A_108 : i32
    %dma_wait3A_110 = arith.constant 0 : i32
    %dma_wait3A_111 = arith.constant 0 : i32
    %dma_wait3A_112 = tpu.memref_slice %arg10[%dma_wait3A_110, %dma_wait3A_111] : memref<16x1024xf32, #tpu.memory_space<vmem>> -> memref<8x1024xf32, #tpu.memory_space<vmem>>
    %dma_wait3A_113 = arith.constant 0 : i32
    %dma_wait3A_114 = tpu.memref_slice %arg5[%add3A_109, %dma_wait3A_113] : memref<4096x1024xf32, #tpu.memory_space<hbm>> -> memref<8x1024xf32, #tpu.memory_space<hbm>>
    %dma_wait3A_115 = arith.constant 0 : i32
    %dma_wait3A_116 = tpu.memref_slice %arg5[%add3A_109, %dma_wait3A_115] : memref<4096x1024xf32, #tpu.memory_space<hbm>> -> memref<8x1024xf32, #tpu.memory_space<hbm>>
    %dma_wait3A_117 = arith.constant 0 : i32
    %dma_wait3A_118 = arith.constant 0 : i32
    %dma_wait3A_119 = tpu.memref_slice %arg10[%dma_wait3A_117, %dma_wait3A_118] : memref<16x1024xf32, #tpu.memory_space<vmem>> -> memref<8x1024xf32, #tpu.memory_space<vmem>>
    tpu.wait_dma2 semaphore(%arg24 : memref<!tpu.dma_semaphore, #tpu.memory_space<semaphore_mem>>) src(%dma_wait3A_119 : memref<8x1024xf32, #tpu.memory_space<vmem>>) dst(%dma_wait3A_116 : memref<8x1024xf32, #tpu.memory_space<hbm>>)
    %add3A_120 = arith.constant 80 : i32
    %add3A_121 = arith.addi %mul3A_2, %add3A_120 : i32
    %dma_wait3A_122 = arith.constant 0 : i32
    %dma_wait3A_123 = arith.constant 0 : i32
    %dma_wait3A_124 = tpu.memref_slice %arg11[%dma_wait3A_122, %dma_wait3A_123] : memref<16x1024xf32, #tpu.memory_space<vmem>> -> memref<8x1024xf32, #tpu.memory_space<vmem>>
    %dma_wait3A_125 = arith.constant 0 : i32
    %dma_wait3A_126 = tpu.memref_slice %arg5[%add3A_121, %dma_wait3A_125] : memref<4096x1024xf32, #tpu.memory_space<hbm>> -> memref<8x1024xf32, #tpu.memory_space<hbm>>
    %dma_wait3A_127 = arith.constant 0 : i32
    %dma_wait3A_128 = tpu.memref_slice %arg5[%add3A_121, %dma_wait3A_127] : memref<4096x1024xf32, #tpu.memory_space<hbm>> -> memref<8x1024xf32, #tpu.memory_space<hbm>>
    %dma_wait3A_129 = arith.constant 0 : i32
    %dma_wait3A_130 = arith.constant 0 : i32
    %dma_wait3A_131 = tpu.memref_slice %arg11[%dma_wait3A_129, %dma_wait3A_130] : memref<16x1024xf32, #tpu.memory_space<vmem>> -> memref<8x1024xf32, #tpu.memory_space<vmem>>
    tpu.wait_dma2 semaphore(%arg25 : memref<!tpu.dma_semaphore, #tpu.memory_space<semaphore_mem>>) src(%dma_wait3A_131 : memref<8x1024xf32, #tpu.memory_space<vmem>>) dst(%dma_wait3A_128 : memref<8x1024xf32, #tpu.memory_space<hbm>>)
    %add3A_132 = arith.constant 88 : i32
    %add3A_133 = arith.addi %mul3A_2, %add3A_132 : i32
    %dma_wait3A_134 = arith.constant 0 : i32
    %dma_wait3A_135 = arith.constant 0 : i32
    %dma_wait3A_136 = tpu.memref_slice %arg12[%dma_wait3A_134, %dma_wait3A_135] : memref<16x1024xf32, #tpu.memory_space<vmem>> -> memref<8x1024xf32, #tpu.memory_space<vmem>>
    %dma_wait3A_137 = arith.constant 0 : i32
    %dma_wait3A_138 = tpu.memref_slice %arg5[%add3A_133, %dma_wait3A_137] : memref<4096x1024xf32, #tpu.memory_space<hbm>> -> memref<8x1024xf32, #tpu.memory_space<hbm>>
    %dma_wait3A_139 = arith.constant 0 : i32
    %dma_wait3A_140 = tpu.memref_slice %arg5[%add3A_133, %dma_wait3A_139] : memref<4096x1024xf32, #tpu.memory_space<hbm>> -> memref<8x1024xf32, #tpu.memory_space<hbm>>
    %dma_wait3A_141 = arith.constant 0 : i32
    %dma_wait3A_142 = arith.constant 0 : i32
    %dma_wait3A_143 = tpu.memref_slice %arg12[%dma_wait3A_141, %dma_wait3A_142] : memref<16x1024xf32, #tpu.memory_space<vmem>> -> memref<8x1024xf32, #tpu.memory_space<vmem>>
    tpu.wait_dma2 semaphore(%arg26 : memref<!tpu.dma_semaphore, #tpu.memory_space<semaphore_mem>>) src(%dma_wait3A_143 : memref<8x1024xf32, #tpu.memory_space<vmem>>) dst(%dma_wait3A_140 : memref<8x1024xf32, #tpu.memory_space<hbm>>)
    %add3A_144 = arith.constant 96 : i32
    %add3A_145 = arith.addi %mul3A_2, %add3A_144 : i32
    %dma_wait3A_146 = arith.constant 0 : i32
    %dma_wait3A_147 = arith.constant 0 : i32
    %dma_wait3A_148 = tpu.memref_slice %arg13[%dma_wait3A_146, %dma_wait3A_147] : memref<16x1024xf32, #tpu.memory_space<vmem>> -> memref<8x1024xf32, #tpu.memory_space<vmem>>
    %dma_wait3A_149 = arith.constant 0 : i32
    %dma_wait3A_150 = tpu.memref_slice %arg5[%add3A_145, %dma_wait3A_149] : memref<4096x1024xf32, #tpu.memory_space<hbm>> -> memref<8x1024xf32, #tpu.memory_space<hbm>>
    %dma_wait3A_151 = arith.constant 0 : i32
    %dma_wait3A_152 = tpu.memref_slice %arg5[%add3A_145, %dma_wait3A_151] : memref<4096x1024xf32, #tpu.memory_space<hbm>> -> memref<8x1024xf32, #tpu.memory_space<hbm>>
    %dma_wait3A_153 = arith.constant 0 : i32
    %dma_wait3A_154 = arith.constant 0 : i32
    %dma_wait3A_155 = tpu.memref_slice %arg13[%dma_wait3A_153, %dma_wait3A_154] : memref<16x1024xf32, #tpu.memory_space<vmem>> -> memref<8x1024xf32, #tpu.memory_space<vmem>>
    tpu.wait_dma2 semaphore(%arg27 : memref<!tpu.dma_semaphore, #tpu.memory_space<semaphore_mem>>) src(%dma_wait3A_155 : memref<8x1024xf32, #tpu.memory_space<vmem>>) dst(%dma_wait3A_152 : memref<8x1024xf32, #tpu.memory_space<hbm>>)
    %add3A_156 = arith.constant 104 : i32
    %add3A_157 = arith.addi %mul3A_2, %add3A_156 : i32
    %dma_wait3A_158 = arith.constant 0 : i32
    %dma_wait3A_159 = arith.constant 0 : i32
    %dma_wait3A_160 = tpu.memref_slice %arg14[%dma_wait3A_158, %dma_wait3A_159] : memref<16x1024xf32, #tpu.memory_space<vmem>> -> memref<8x1024xf32, #tpu.memory_space<vmem>>
    %dma_wait3A_161 = arith.constant 0 : i32
    %dma_wait3A_162 = tpu.memref_slice %arg5[%add3A_157, %dma_wait3A_161] : memref<4096x1024xf32, #tpu.memory_space<hbm>> -> memref<8x1024xf32, #tpu.memory_space<hbm>>
    %dma_wait3A_163 = arith.constant 0 : i32
    %dma_wait3A_164 = tpu.memref_slice %arg5[%add3A_157, %dma_wait3A_163] : memref<4096x1024xf32, #tpu.memory_space<hbm>> -> memref<8x1024xf32, #tpu.memory_space<hbm>>
    %dma_wait3A_165 = arith.constant 0 : i32
    %dma_wait3A_166 = arith.constant 0 : i32
    %dma_wait3A_167 = tpu.memref_slice %arg14[%dma_wait3A_165, %dma_wait3A_166] : memref<16x1024xf32, #tpu.memory_space<vmem>> -> memref<8x1024xf32, #tpu.memory_space<vmem>>
    tpu.wait_dma2 semaphore(%arg28 : memref<!tpu.dma_semaphore, #tpu.memory_space<semaphore_mem>>) src(%dma_wait3A_167 : memref<8x1024xf32, #tpu.memory_space<vmem>>) dst(%dma_wait3A_164 : memref<8x1024xf32, #tpu.memory_space<hbm>>)
    %add3A_168 = arith.constant 112 : i32
    %add3A_169 = arith.addi %mul3A_2, %add3A_168 : i32
    %dma_wait3A_170 = arith.constant 0 : i32
    %dma_wait3A_171 = arith.constant 0 : i32
    %dma_wait3A_172 = tpu.memref_slice %arg8[%dma_wait3A_170, %dma_wait3A_171] : memref<16x1024xf32, #tpu.memory_space<vmem>> -> memref<8x1024xf32, #tpu.memory_space<vmem>>
    %dma_wait3A_173 = arith.constant 0 : i32
    %dma_wait3A_174 = tpu.memref_slice %arg5[%add3A_169, %dma_wait3A_173] : memref<4096x1024xf32, #tpu.memory_space<hbm>> -> memref<8x1024xf32, #tpu.memory_space<hbm>>
    %dma_wait3A_175 = arith.constant 0 : i32
    %dma_wait3A_176 = tpu.memref_slice %arg5[%add3A_169, %dma_wait3A_175] : memref<4096x1024xf32, #tpu.memory_space<hbm>> -> memref<8x1024xf32, #tpu.memory_space<hbm>>
    %dma_wait3A_177 = arith.constant 0 : i32
    %dma_wait3A_178 = arith.constant 0 : i32
    %dma_wait3A_179 = tpu.memref_slice %arg8[%dma_wait3A_177, %dma_wait3A_178] : memref<16x1024xf32, #tpu.memory_space<vmem>> -> memref<8x1024xf32, #tpu.memory_space<vmem>>
    tpu.wait_dma2 semaphore(%arg22 : memref<!tpu.dma_semaphore, #tpu.memory_space<semaphore_mem>>) src(%dma_wait3A_179 : memref<8x1024xf32, #tpu.memory_space<vmem>>) dst(%dma_wait3A_176 : memref<8x1024xf32, #tpu.memory_space<hbm>>)
    %add3A_180 = arith.constant 120 : i32
    %add3A_181 = arith.addi %mul3A_2, %add3A_180 : i32
    %dma_wait3A_182 = arith.constant 0 : i32
    %dma_wait3A_183 = arith.constant 0 : i32
    %dma_wait3A_184 = tpu.memref_slice %arg9[%dma_wait3A_182, %dma_wait3A_183] : memref<16x1024xf32, #tpu.memory_space<vmem>> -> memref<8x1024xf32, #tpu.memory_space<vmem>>
    %dma_wait3A_185 = arith.constant 0 : i32
    %dma_wait3A_186 = tpu.memref_slice %arg5[%add3A_181, %dma_wait3A_185] : memref<4096x1024xf32, #tpu.memory_space<hbm>> -> memref<8x1024xf32, #tpu.memory_space<hbm>>
    %dma_wait3A_187 = arith.constant 0 : i32
    %dma_wait3A_188 = tpu.memref_slice %arg5[%add3A_181, %dma_wait3A_187] : memref<4096x1024xf32, #tpu.memory_space<hbm>> -> memref<8x1024xf32, #tpu.memory_space<hbm>>
    %dma_wait3A_189 = arith.constant 0 : i32
    %dma_wait3A_190 = arith.constant 0 : i32
    %dma_wait3A_191 = tpu.memref_slice %arg9[%dma_wait3A_189, %dma_wait3A_190] : memref<16x1024xf32, #tpu.memory_space<vmem>> -> memref<8x1024xf32, #tpu.memory_space<vmem>>
    tpu.wait_dma2 semaphore(%arg23 : memref<!tpu.dma_semaphore, #tpu.memory_space<semaphore_mem>>) src(%dma_wait3A_191 : memref<8x1024xf32, #tpu.memory_space<vmem>>) dst(%dma_wait3A_188 : memref<8x1024xf32, #tpu.memory_space<hbm>>)
    return
  }
}

</mosaic_0001>

<sc_bundles>
// kernel: kernel.3.cloned.1.call-start
scs
__scs_entry_jumppad:
0x0: {  	(pc) =	sbr.rel $0x88, $3  }
0x1: {  	(tag) =	ssettag $0x0;
	lr =	simm.s32 $0x1  }
0x2: {  	[smem:$0x3F9E] =	sst lr;
	_ =	strace $0xD0000000  }
0x3: {  	_ = 	snop  }
0x4: {  	_ = 	snop  }
0x5: {  	_ = 	snop  }
0x6: {  	_ = 	snop  }
0x7: {  	_ = 	snop  }
__scs_overlays_trampoline_lowered:
0x8: {  	[smem:$0x3FAD] =	sst s0  }
0x9: {  	[smem:$0x3FAE] =	sst s1  }
0xa: {  	[smem:$0x3FAF] =	sst s2  }
0xb: {  	[smem:$0x3FB0] =	sst s3  }
0xc: {  	[smem:$0x3FB1] =	sst s4  }
0xd: {  	[smem:$0x3FB2] =	sst s5  }
0xe: {  	[smem:$0x3FB3] =	sst s6  }
0xf: {  	[smem:$0x3FB4] =	sst s7  }
0x10: {  	[smem:$0x3FB5] =	sst s8  }
0x11: {  	[smem:$0x3FB6] =	sst s9;
	s0 =	simm.s32 @!p0 $0x0  }
0x12: {  	s1 =	sld [smem:$0x3F9C];
	s0 =	simm.s32 @p0 $0x1  }
0x13: {  	[smem:$0x3FB7] =	sst s0;
	s0 =	simm.s32 @!p1 $0x0  }
0x14: {  	s2 =	sld [smem:$0x3F9B];
	s0 =	simm.s32 @p1 $0x1  }
0x15: {  	[smem:$0x3FB8] =	sst s0;
	s0 =	simm.s32 @!p2 $0x0  }
0x16: {  	s3 =	sld [smem:$0x3FDB];
	s0 =	simm.s32 @p2 $0x1  }
0x17: {  	s4 =	simm.s32 $0x1BF5;
	[smem:$0x3FBA] =	sst s0  }
0x18: {  	s0 =	sld [smem:$0x3F9D];
	_ =	swait.ge [sflag:s4], $0x0  }
0x19: {  	s7 =	sld [smem:$0x3F9E]  }
0x1a: {  	s8 =	sadd.s32 $0xFFFFE003, lr  }
0x1b: {  	s9 =	sadd.s32 $0xFFFFFEF7, lr;
	s5 =	simm.s32 $0xFFFFFFFF;
	p2 =	slt.u32 s8, $0xFFFFF086  }
0x1c: {  	p1 =	slt.u32 s9, $0xF7A;
	s5 =	simm.s32 @!p2 $0x0  }
0x1d: {  	s5 =	simm.s32 @p1 $0x1;
	p0 =	seq.s32 s7, s2  }
0x1e: {  	s7 =	smul.u32 @!p0 $0xF7A, s2;
	p2 =	seq.s32 @!p0 s5, $0x0  }
0x1f: {  	s9 =	smul.u32 $0xF7A, s1;
	s8 =	simm.s32 @!p0 $0x1BF5;
	p2 =	por !p2, p0  }
0x20: {  	[sflag:s8] =	ssyncset.s32 @!p0 $0xFFFFF086;
	s6 =	sadd.s32 @!p0 s3, s7;
	s7 =	simm.s32 @!p0 $0x108  }
0x21: {  	s3 =	sadd.s32 s3, s9;
	s6 =	sadd.s32 @!p0 $0x88, s6;
	s7 =	simm.s32 @p2 $0x1082  }
0x22: {  	[simem:s7], [sflag:s8] =	dma.local @!p0 [hbm:s6], $0xF7A  }
0x23: {  	s9 =	sor.u32 $0xD0000000, s2;
	s6 =	simm.s32 $0x108;
	_ =	swait.ge @!p0 [sflag:s8], $0x0  }
0x24: {  	s3 =	sadd.s32 $0x88, s3;
	s6 =	simm.s32 @!p1 $0x1082;
	[sflag:s4] =	ssyncset.s32 $0xFFFFF086  }
0x25: {  	[simem:s6], [sflag:s4] =	dma.local [hbm:s3], $0xF7A  }
0x26: {  	[smem:$0x3F9E] =	sst s1;
	(tag) =	ssettag s2;
	_ =	strace s9  }
0x27: {  	s1 =	sld [smem:$0x3FAE]  }
0x28: {  	s2 =	sld [smem:$0x3FAF]  }
0x29: {  	s4 =	sld [smem:$0x3FB1]  }
0x2a: {  	p0 =	seq.s32 s5, $0x0;
	s5 =	sld [smem:$0x3FB2]  }
0x2b: {  	s6 =	sld [smem:$0x3FB3]  }
0x2c: {  	s7 =	sld [smem:$0x3FB4]  }
0x2d: {  	s3 =	simm.s32 $0x108;
	s8 =	sld [smem:$0x3FB5]  }
0x2e: {  	s3 =	simm.s32 @!p0 $0x1082;
	s9 =	sld [smem:$0x3FB6]  }
0x2f: {  	lr =	sadd.s32 s0, s3;
	s0 =	sld [smem:$0x3FAD]  }
0x30: {  	s3 =	sld [smem:$0x3FB0]  }
0x31: {  	[smem:$0x3FB9] =	sst s10  }
0x32: {  	s10 =	sld [smem:$0x3FB7];
	_ =	sdelay $0x3  }
0x33: {  	p0 =	seq.s32 s10, $0x1;
	s10 =	sld [smem:$0x3FB9];
	_ =	sdelay $0x3  }
0x34: {  	[smem:$0x3FB9] =	sst s10  }
0x35: {  	s10 =	sld [smem:$0x3FB8];
	_ =	sdelay $0x3  }
0x36: {  	p1 =	seq.s32 s10, $0x1;
	s10 =	sld [smem:$0x3FB9];
	_ =	sdelay $0x3  }
0x37: {  	[smem:$0x3FB9] =	sst s10  }
0x38: {  	s10 =	sld [smem:$0x3FBA]  }
0x39: {  	_ = 	snop;
	(pc) =	sbr.ind lr, $3  }
0x3a: {  	_ = 	snop  }
0x3b: {  	_ = 	snop  }
0x3c: {  	p2 =	seq.s32 s10, $0x1;
	s10 =	sld [smem:$0x3FB9]  }
0x3d: {  	_ =	shalt  }
0x3e: {  	_ =	shalt  }
0x3f: {  	_ =	shalt  }
0x40: {  	_ =	shalt  }
0x41: {  	_ =	shalt  }
0x42: {  	_ =	shalt  }
0x43: {  	_ =	shalt  }
0x44: {  	_ =	shalt  }
0x45: {  	_ =	shalt  }
0x46: {  	_ =	shalt  }
0x47: {  	_ =	shalt  }
0x48: {  	_ =	shalt  }
0x49: {  	_ =	shalt  }
0x4a: {  	_ =	shalt  }
0x4b: {  	_ =	shalt  }
0x4c: {  	_ =	shalt  }
0x4d: {  	_ =	shalt  }
0x4e: {  	_ =	shalt  }
0x4f: {  	_ =	shalt  }
0x50: {  	_ =	shalt  }
0x51: {  	_ =	shalt  }
0x52: {  	_ =	shalt  }
0x53: {  	_ =	shalt  }
0x54: {  	_ =	shalt  }
0x55: {  	_ =	shalt  }
0x56: {  	_ =	shalt  }
0x57: {  	_ =	shalt  }
0x58: {  	_ =	shalt  }
0x59: {  	_ =	shalt  }
0x5a: {  	_ =	shalt  }
0x5b: {  	_ =	shalt  }
0x5c: {  	_ =	shalt  }
0x5d: {  	_ =	shalt  }
0x5e: {  	_ =	shalt  }
0x5f: {  	_ =	shalt  }
0x60: {  	_ =	shalt  }
0x61: {  	_ =	shalt  }
0x62: {  	_ =	shalt  }
0x63: {  	_ =	shalt  }
0x64: {  	_ =	shalt  }
0x65: {  	_ =	shalt  }
0x66: {  	_ =	shalt  }
0x67: {  	_ =	shalt  }
0x68: {  	_ =	shalt  }
0x69: {  	_ =	shalt  }
0x6a: {  	_ =	shalt  }
0x6b: {  	_ =	shalt  }
0x6c: {  	_ =	shalt  }
0x6d: {  	_ =	shalt  }
0x6e: {  	_ =	shalt  }
0x6f: {  	_ =	shalt  }
0x70: {  	_ =	shalt  }
0x71: {  	_ =	shalt  }
0x72: {  	_ =	shalt  }
0x73: {  	_ =	shalt  }
0x74: {  	_ =	shalt  }
0x75: {  	_ =	shalt  }
0x76: {  	_ =	shalt  }
0x77: {  	_ =	shalt  }
0x78: {  	_ =	shalt  }
0x79: {  	_ =	shalt  }
0x7a: {  	_ =	shalt  }
0x7b: {  	_ =	shalt  }
0x7c: {  	_ =	shalt  }
0x7d: {  	_ =	shalt  }
0x7e: {  	_ =	shalt  }
0x7f: {  	_ =	shalt  }
0x80: {  	_ =	shalt  }
0x81: {  	_ =	shalt  }
0x82: {  	_ =	shalt  }
0x83: {  	_ =	shalt  }
0x84: {  	_ =	shalt  }
0x85: {  	_ =	shalt  }
0x86: {  	_ =	shalt  }
0x87: {  	_ =	shalt  }
.Lfunc_end0:
.L_simem_size_0:
called_computation_lowered:
.L_overlay_start_0:
0x88: {  	s2 =	sld [smem:$0x3FD9]  }
0x89: {  	s3 =	sld [smem:$0x3FFE];
	_ =	sdelay $0x1  }
0x8a: {  	s1 =	srdreg.scid  }
0x8b: {  	s0 =	sand.u32 $0x1, s1  }
0x8c: {  	s17 =	sshll.u32 s0, $0xA;
	s2 =	sadd.s32 s3, s2  }
0x8d: {  	s2 =	sadd.s32 s2, s17  }
0x8e: {  	[smem:$0x3FC5] =	sst s2  }
0x8f: {  	_ = 	snop  }
0x90: {  	s2 =	sld [smem:$0x3FC7]  }
0x91: {  	s18 =	sld [smem:$0x3FD0];
	(tm) =	ssettm $0x1  }
0x92: {  	s4 =	sld [smem:$0x3FFB];
	_ =	sdelay $0x3  }
0x93: {  	_ =	strace s4  }
0x94: {  	s4 =	sld [smem:$0x3FFC];
	_ =	sdelay $0x3  }
0x95: {  	_ =	strace s4  }
0x96: {  	s4 =	sld [smem:$0x3FFD];
	_ =	sdelay $0x3  }
0x97: {  	_ =	strace s4  }
0x98: {  	_ =	strace $0x8FFFFFFF  }
0x99: {  	s19 =	sld [smem:$0x3FDB];
	_ =	sdelay $0x1  }
0x9a: {  	s5 =	simm.s32 $_scs_section_size  }
0x9b: {  	s6 =	simm.s32 $_size__tile_overlayer_lowered;
	s7 =	simm.s32 $_tile_overlayer_lowered  }
0x9c: {  	s22 =	simm.s32 $0x1BFF;
	s21 =	sshll.u32 s7, $0x1;
	s4 =	sadd.s32 s5, s19  }
0x9d: {  	s8 =	simm.s32 $0x0;
	s20 =	sshll.u32 s6, $0x1;
	s6 =	sadd.s32 s21, s4  }
0x9e: {  	[timem:s8], [sflag:s22] =	dma.local [hbm:s6], s20  }
0x9f: {  	_ =	swait.ge [sflag:s22], s20  }
0xa0: {  	s5 =	ssub.s32 $0x0, s20;
	[sflag:s22] =	ssyncset.done $0x0  }
0xa1: {  	[sflag:s22] =	ssyncadd.s32 s5;
	_ =	sdelay $0x1  }
0xa2: {  	s23 =	simm.s32 $0x1B8B  }
0xa3: {  	_ =	swait.ge [sflag:s23], $0x1  }
0xa4: {  	[sflag:s23] =	ssyncset.done $0x0  }
0xa5: {  	s25 =	simm.s32 $0x1B8E;
	s24 =	sld [smem:$0x3FFE];
	[sflag:s23] =	ssyncadd.s32 $0xFFFFFFFF  }
0xa6: {  	s26 =	simm.s32 $execute0_lowered;
	[smem:$0x3FD2] =	sst s25  }
0xa7: {  	s6 =	sshll.u32 s26, $0x1;
	_ =	strace $0x80000046;
	[dreg:$0x1] =	wrdreg $0xFFFFFFFF  }
0xa8: {  	s28 =	simm.s32 $_size_execute0_lowered;
	s4 =	sadd.s32 s4, s6;
	[dreg:$0x0] =	wrdreg $0x0  }
0xa9: {  	s6 =	sshll.u32 s28, $0x1;
	[dreg:$0x2] =	wrdreg s4  }
0xaa: {  	[dreg:$0x3] =	wrdreg s6  }
0xab: {  	[dreg:$0x4] =	wrdreg $0xC0  }
0xac: {  	_ =	task [dreg:s8], $0x5FFFF  }
0xad: {  	[dreg:$0x1] =	wrdreg $0xFFFFFFFF  }
0xae: {  	[dreg:$0x0] =	wrdreg $0x60  }
0xaf: {  	[dreg:$0x2] =	wrdreg s2  }
0xb0: {  	[dreg:$0x3] =	wrdreg s24  }
0xb1: {  	[dreg:$0x4] =	wrdreg s18  }
0xb2: {  	[dreg:$0x5] =	wrdreg $0x9  }
0xb3: {  	_ =	task.clear_ibuf [dreg:s8], $0x6FFFF;
	_ =	strace $0x90000046  }
0xb4: {  	s29 =	simm.s32 $0x9;
	_ =	strace $0x80000048  }
0xb5: {  	_ =	swait.ge [sflag:s29], $0x1  }
0xb6: {  	[sflag:s29] =	ssyncadd.s32 $0xFFFFFFFF  }
0xb7: {  	_ =	strace $0x90000048  }
0xb8: {  	_ =	sfence  }
0xb9: {  	s30 =	sld [smem:$0x0];
	_ =	sdelay $0x2  }
0xba: {  	s31 =	sshll.u32 s1, $0xD;
	s1 =	sshrl.u32 s1, $0x2  }
0xbb: {  	s3 =	sand.u32 $0x4000, s31;
	s1 =	sadd.s32 s1, s30  }
0xbc: {  	s0 =	sor.u32 s3, s0;
	s1 =	sshll.u32 s1, $0x11  }
0xbd: {  	s0 =	sor.u32 s1, s0  }
0xbe: {  	s0 =	sadd.s32 $0x8F2B, s0  }
0xbf: {  	[sflag:s0] =	ssyncadd.remote.s32 $0x1  }
0xc0: {  	_ =	sfence.sel $0xFFFF  }
0xc1: {  	[dreg:$0x0] =	wrdreg $0xFFFFFFFF;
	(pc) =	sbr.abs _section_cstart, $3  }
0xc2: {  	[dreg:$0x1] =	wrdreg $0xFFFFFFFF  }
0xc3: {  	_ =	task.clear_ibuf [dreg:s8], $0x2FFFF;
	_ =	strace $0x9FFFFFFF  }
0xc4: {  	(tm) =	ssettm $0x7FFFFFFF  }
0xc5: {  	_ =	shalt  }
tec
execute0_lowered:
.L_overlay_start_1:
0x0: {  	(tag) =	ssettag $0x1  }
0x1: {  	s1 =	rddreg [dreg:$0x0]  }
0x2: {  	s0 =	rddreg [dreg:$0x1];
	s2 =	srdreg.scid  }
0x3: {  	s3 =	stileid.u32;
	s4 =	rddreg [dreg:$0x2];
	s14 =	simm.s32 $0x1000  }
0x4: {  	s22 =	simm.s32 $0x5000;
	s9 =	simm.s32 $0x19000;
	s13 =	simm.s32 $0x1  }
0x5: {  	s10 =	simm.s32 $0x8;
	s11 =	simm.s32 $0x2;
	s15 =	simm.s32 $0x9  }
0x6: {  	s12 =	simm.s32 $0x3;
	s16 =	simm.s32 $0x4;
	s17 =	simm.s32 $0x5  }
0x7: {  	s18 =	simm.s32 $0x6;
	s19 =	simm.s32 $0x7;
	s20 =	simm.s32 $0xE  }
0x8: {  	s23 =	simm.s32 $0x0;
	s2 =	sand.u32 $0x1, s2;
	s5 =	sshll.u32 s3, $0x1  }
0x9: {  	s3 =	simm.s32 $0x0;
	s8 =	sadd.s32 $0x300, s1;
	s5 =	sor.u32 s2, s5  }
0xa: {  	[smem:$0x7FF] =	sst s3;
	s2 =	ssub.s32 $0x2, s2;
	s6 =	sshll.u32 s5, $0x8  }
0xb: {  	_ =	strace $0x80000047;
	s26 =	sshrl.u32 s2, $0x1;
	s0 =	sadd.s32 s6, s0  }
0xc: {  	s7 =	sshll.u32 s5, $0xE;
	s5 =	sadd.s32 $0x100, s1;
	s28 =	sadd.s32 $0x400, s0  }
0xd: {  	s7 =	sadd.s32 s4, s7;
	s0 =	sadd.s32 $0x2400, s0;
	[dreg:$0x4] =	wrdreg s28  }
0xe: {  	s2 =	ssub.s32 s2, s26;
	s29 =	sadd.s32 $0x3800, s7;
	[dreg:$0x5] =	wrdreg s0  }
0xf: {  	v2 =	vlaneseq.u32;
	s6 =	sadd.s32 $0x200, s1;
	s30 =	sadd.s32 $0x3C00, s7;
	[dreg:$0x6] =	wrdreg s29  }
0x10: {  	vm0 =	vmmov $0xffff;
	v1 =	vshrl.u32 v2, $0x3;
	s4 =	simm.s32 $0x15000;
	s31 =	smax.u32 s2, $0x1;
	[dreg:$0x7] =	wrdreg s30  }
0x11: {  	v0 =	vand.u32 $0x7, v2;
	v2 =	vor.u32 $0x8, v2;
	v1 =	vmul.u32 $0x8, v1;
	s2 =	simm.s32 $0x11000;
	[dreg:$0x8] =	wrdreg s31;
	s0 =	simm.s32 $0xD000  }
.LBB2_1:
0x12: {  	[dreg:$0x9] =	wrdreg s23  }
0x13: {  	s21 =	rddreg [dreg:$0x4];
	s23 =	simm.s32 $0xF  }
0x14: {  	[tilespmem:s3], [sflag:$0xF] =	stream.linear.gather [hbm4b:s21+s3], $0x800, $0x38;
	[tilespmem:$0x1D000] =	vst v63  }
0x15: {  	_ =	swait.ge [sflag:s23], $0x800  }
0x16: {  	[sflag:s23] =	ssyncset.done $0x0  }
0x17: {  	[sflag:s23] =	ssyncadd.s32 $0xFFFFF800  }
0x18: {  	v3 =	vld [tilespmem:$0x0];
	_ =	sdelay $0x4  }
0x19: {  	v4 =	vshll.u32 v3, $0x3  }
0x1a: {  	v3 =	vand.u32 $0x7, v3;
	v4 =	vand.u32 $0xFFFFFFC0, v4  }
0x1b: {  	v3 =	vor.u32 v3, v4  }
0x1c: {  	v4 =	vperm.xlane v3, v0;
	_ =	sdelay $0x1  }
0x1d: {  	v4 =	vadd.s32 v1, v4;
	_ =	sdelay $0x4  }
0x1e: {  	[tilespmem:s14], [sflag:$0x1] =	stream.indirect_vreg.gather [hbm4b:s1+s3], $0x80, v4, vm0, $0xb8;
	[tilespmem:$0x1D000] =	vst v63  }
0x1f: {  	s30 =	simm.s32 $0x1800;
	v3 =	vperm.xlane v3, v2  }
0x20: {  	[tilespmem:s30], [sflag:$0x1] =	stream.indirect_vreg.gather [hbm4b:s5+s3], $0x80, v4, vm0, $0xb8;
	[tilespmem:$0x1D000] =	vst v63  }
0x21: {  	s31 =	simm.s32 $0x2000;
	v3 =	vadd.s32 v1, v3  }
0x22: {  	[tilespmem:s31], [sflag:$0x1] =	stream.indirect_vreg.gather [hbm4b:s6+s3], $0x80, v4, vm0, $0xb8;
	[tilespmem:$0x1D000] =	vst v63  }
0x23: {  	s24 =	simm.s32 $0x2800  }
0x24: {  	[tilespmem:s24], [sflag:$0x1] =	stream.indirect_vreg.gather [hbm4b:s8+s3], $0x80, v4, vm0, $0xb8;
	[tilespmem:$0x1D000] =	vst v63  }
0x25: {  	s25 =	simm.s32 $0x3000  }
0x26: {  	[tilespmem:s25], [sflag:$0x1] =	stream.indirect_vreg.gather [hbm4b:s1+s3], $0x80, v3, vm0, $0xb8;
	[tilespmem:$0x1D000] =	vst v63  }
0x27: {  	s26 =	simm.s32 $0x3800  }
0x28: {  	[tilespmem:s26], [sflag:$0x1] =	stream.indirect_vreg.gather [hbm4b:s5+s3], $0x80, v3, vm0, $0xb8;
	[tilespmem:$0x1D000] =	vst v63  }
0x29: {  	s28 =	simm.s32 $0x4000  }
0x2a: {  	[tilespmem:s28], [sflag:$0x1] =	stream.indirect_vreg.gather [hbm4b:s6+s3], $0x80, v3, vm0, $0xb8;
	[tilespmem:$0x1D000] =	vst v63  }
0x2b: {  	s29 =	simm.s32 $0x4800  }
0x2c: {  	[tilespmem:s29], [sflag:$0x1] =	stream.indirect_vreg.gather [hbm4b:s8+s3], $0x80, v3, vm0, $0xb8;
	[tilespmem:$0x1D000] =	vst v63  }
0x2d: {  	v3 =	vld [tilespmem:$0x80];
	_ =	sdelay $0x4  }
0x2e: {  	v58 =	vshll.u32 v3, $0x3  }
0x2f: {  	v3 =	vand.u32 $0x7, v3;
	v4 =	vand.u32 $0xFFFFFFC0, v58  }
0x30: {  	v3 =	vor.u32 v3, v4  }
0x31: {  	v4 =	vperm.xlane v3, v0;
	_ =	sdelay $0x1  }
0x32: {  	v4 =	vadd.s32 v1, v4;
	_ =	sdelay $0x4  }
0x33: {  	[tilespmem:s22], [sflag:$0x2] =	stream.indirect_vreg.gather [hbm4b:s1+s3], $0x80, v4, vm0, $0xb8;
	[tilespmem:$0x1D000] =	vst v63  }
0x34: {  	s30 =	simm.s32 $0x5800;
	v3 =	vperm.xlane v3, v2  }
0x35: {  	[tilespmem:s30], [sflag:$0x2] =	stream.indirect_vreg.gather [hbm4b:s5+s3], $0x80, v4, vm0, $0xb8;
	[tilespmem:$0x1D000] =	vst v63  }
0x36: {  	s31 =	simm.s32 $0x6000;
	v3 =	vadd.s32 v1, v3  }
0x37: {  	[tilespmem:s31], [sflag:$0x2] =	stream.indirect_vreg.gather [hbm4b:s6+s3], $0x80, v4, vm0, $0xb8;
	[tilespmem:$0x1D000] =	vst v63  }
0x38: {  	s24 =	simm.s32 $0x6800  }
0x39: {  	[tilespmem:s24], [sflag:$0x2] =	stream.indirect_vreg.gather [hbm4b:s8+s3], $0x80, v4, vm0, $0xb8;
	[tilespmem:$0x1D000] =	vst v63  }
0x3a: {  	s25 =	simm.s32 $0x7000  }
0x3b: {  	[tilespmem:s25], [sflag:$0x2] =	stream.indirect_vreg.gather [hbm4b:s1+s3], $0x80, v3, vm0, $0xb8;
	[tilespmem:$0x1D000] =	vst v63  }
0x3c: {  	s26 =	simm.s32 $0x7800  }
0x3d: {  	[tilespmem:s26], [sflag:$0x2] =	stream.indirect_vreg.gather [hbm4b:s5+s3], $0x80, v3, vm0, $0xb8;
	[tilespmem:$0x1D000] =	vst v63  }
0x3e: {  	s28 =	simm.s32 $0x8000  }
0x3f: {  	[tilespmem:s28], [sflag:$0x2] =	stream.indirect_vreg.gather [hbm4b:s6+s3], $0x80, v3, vm0, $0xb8;
	[tilespmem:$0x1D000] =	vst v63  }
0x40: {  	s29 =	simm.s32 $0x8800  }
0x41: {  	[tilespmem:s29], [sflag:$0x2] =	stream.indirect_vreg.gather [hbm4b:s8+s3], $0x80, v3, vm0, $0xb8;
	[tilespmem:$0x1D000] =	vst v63  }
0x42: {  	v3 =	vld [tilespmem:$0x100];
	_ =	sdelay $0x4  }
0x43: {  	v59 =	vshll.u32 v3, $0x3  }
0x44: {  	v3 =	vand.u32 $0x7, v3;
	v4 =	vand.u32 $0xFFFFFFC0, v59  }
0x45: {  	v3 =	vor.u32 v3, v4  }
0x46: {  	v4 =	vperm.xlane v3, v0;
	_ =	sdelay $0x1  }
0x47: {  	v4 =	vadd.s32 v1, v4;
	_ =	sdelay $0x3  }
0x48: {  	s30 =	simm.s32 $0x9000  }
0x49: {  	[tilespmem:s30], [sflag:$0x3] =	stream.indirect_vreg.gather [hbm4b:s1+s3], $0x80, v4, vm0, $0xb8;
	[tilespmem:$0x1D000] =	vst v63  }
0x4a: {  	s31 =	simm.s32 $0x9800;
	v3 =	vperm.xlane v3, v2  }
0x4b: {  	[tilespmem:s31], [sflag:$0x3] =	stream.indirect_vreg.gather [hbm4b:s5+s3], $0x80, v4, vm0, $0xb8;
	[tilespmem:$0x1D000] =	vst v63  }
0x4c: {  	s24 =	simm.s32 $0xA000;
	v3 =	vadd.s32 v1, v3  }
0x4d: {  	[tilespmem:s24], [sflag:$0x3] =	stream.indirect_vreg.gather [hbm4b:s6+s3], $0x80, v4, vm0, $0xb8;
	[tilespmem:$0x1D000] =	vst v63  }
0x4e: {  	s25 =	simm.s32 $0xA800  }
0x4f: {  	[tilespmem:s25], [sflag:$0x3] =	stream.indirect_vreg.gather [hbm4b:s8+s3], $0x80, v4, vm0, $0xb8;
	[tilespmem:$0x1D000] =	vst v63  }
0x50: {  	s26 =	simm.s32 $0xB000  }
0x51: {  	[tilespmem:s26], [sflag:$0x3] =	stream.indirect_vreg.gather [hbm4b:s1+s3], $0x80, v3, vm0, $0xb8;
	[tilespmem:$0x1D000] =	vst v63  }
0x52: {  	s28 =	simm.s32 $0xB800  }
0x53: {  	[tilespmem:s28], [sflag:$0x3] =	stream.indirect_vreg.gather [hbm4b:s5+s3], $0x80, v3, vm0, $0xb8;
	[tilespmem:$0x1D000] =	vst v63  }
0x54: {  	s29 =	simm.s32 $0xC000  }
0x55: {  	[tilespmem:s29], [sflag:$0x3] =	stream.indirect_vreg.gather [hbm4b:s6+s3], $0x80, v3, vm0, $0xb8;
	[tilespmem:$0x1D000] =	vst v63  }
0x56: {  	s30 =	simm.s32 $0xC800  }
0x57: {  	[tilespmem:s30], [sflag:$0x3] =	stream.indirect_vreg.gather [hbm4b:s8+s3], $0x80, v3, vm0, $0xb8;
	[tilespmem:$0x1D000] =	vst v63  }
0x58: {  	v3 =	vld [tilespmem:$0x180];
	_ =	sdelay $0x4  }
0x59: {  	v60 =	vshll.u32 v3, $0x3  }
0x5a: {  	v3 =	vand.u32 $0x7, v3;
	v4 =	vand.u32 $0xFFFFFFC0, v60  }
0x5b: {  	v3 =	vor.u32 v3, v4  }
0x5c: {  	v4 =	vperm.xlane v3, v0;
	_ =	sdelay $0x1  }
0x5d: {  	v4 =	vadd.s32 v1, v4;
	_ =	sdelay $0x4  }
0x5e: {  	[tilespmem:s0], [sflag:$0x4] =	stream.indirect_vreg.gather [hbm4b:s1+s3], $0x80, v4, vm0, $0xb8;
	[tilespmem:$0x1D000] =	vst v63  }
0x5f: {  	s31 =	simm.s32 $0xD800;
	v3 =	vperm.xlane v3, v2  }
0x60: {  	[tilespmem:s31], [sflag:$0x4] =	stream.indirect_vreg.gather [hbm4b:s5+s3], $0x80, v4, vm0, $0xb8;
	[tilespmem:$0x1D000] =	vst v63  }
0x61: {  	s24 =	simm.s32 $0xE000;
	v3 =	vadd.s32 v1, v3  }
0x62: {  	[tilespmem:s24], [sflag:$0x4] =	stream.indirect_vreg.gather [hbm4b:s6+s3], $0x80, v4, vm0, $0xb8;
	[tilespmem:$0x1D000] =	vst v63  }
0x63: {  	s25 =	simm.s32 $0xE800  }
0x64: {  	[tilespmem:s25], [sflag:$0x4] =	stream.indirect_vreg.gather [hbm4b:s8+s3], $0x80, v4, vm0, $0xb8;
	[tilespmem:$0x1D000] =	vst v63  }
0x65: {  	s26 =	simm.s32 $0xF000  }
0x66: {  	[tilespmem:s26], [sflag:$0x4] =	stream.indirect_vreg.gather [hbm4b:s1+s3], $0x80, v3, vm0, $0xb8;
	[tilespmem:$0x1D000] =	vst v63  }
0x67: {  	s28 =	simm.s32 $0xF800  }
0x68: {  	[tilespmem:s28], [sflag:$0x4] =	stream.indirect_vreg.gather [hbm4b:s5+s3], $0x80, v3, vm0, $0xb8;
	[tilespmem:$0x1D000] =	vst v63  }
0x69: {  	s29 =	simm.s32 $0x10000  }
0x6a: {  	[tilespmem:s29], [sflag:$0x4] =	stream.indirect_vreg.gather [hbm4b:s6+s3], $0x80, v3, vm0, $0xb8;
	[tilespmem:$0x1D000] =	vst v63  }
0x6b: {  	s30 =	simm.s32 $0x10800  }
0x6c: {  	[tilespmem:s30], [sflag:$0x4] =	stream.indirect_vreg.gather [hbm4b:s8+s3], $0x80, v3, vm0, $0xb8;
	[tilespmem:$0x1D000] =	vst v63  }
0x6d: {  	v3 =	vld [tilespmem:$0x200];
	_ =	sdelay $0x4  }
0x6e: {  	v61 =	vshll.u32 v3, $0x3  }
0x6f: {  	v3 =	vand.u32 $0x7, v3;
	v4 =	vand.u32 $0xFFFFFFC0, v61  }
0x70: {  	v3 =	vor.u32 v3, v4  }
0x71: {  	v4 =	vperm.xlane v3, v0;
	_ =	sdelay $0x1  }
0x72: {  	v4 =	vadd.s32 v1, v4;
	_ =	sdelay $0x4  }
0x73: {  	[tilespmem:s2], [sflag:$0x5] =	stream.indirect_vreg.gather [hbm4b:s1+s3], $0x80, v4, vm0, $0xb8;
	[tilespmem:$0x1D000] =	vst v63  }
0x74: {  	s31 =	simm.s32 $0x11800;
	v3 =	vperm.xlane v3, v2  }
0x75: {  	[tilespmem:s31], [sflag:$0x5] =	stream.indirect_vreg.gather [hbm4b:s5+s3], $0x80, v4, vm0, $0xb8;
	[tilespmem:$0x1D000] =	vst v63  }
0x76: {  	s24 =	simm.s32 $0x12000;
	v3 =	vadd.s32 v1, v3  }
0x77: {  	[tilespmem:s24], [sflag:$0x5] =	stream.indirect_vreg.gather [hbm4b:s6+s3], $0x80, v4, vm0, $0xb8;
	[tilespmem:$0x1D000] =	vst v63  }
0x78: {  	s25 =	simm.s32 $0x12800  }
0x79: {  	[tilespmem:s25], [sflag:$0x5] =	stream.indirect_vreg.gather [hbm4b:s8+s3], $0x80, v4, vm0, $0xb8;
	[tilespmem:$0x1D000] =	vst v63  }
0x7a: {  	s26 =	simm.s32 $0x13000  }
0x7b: {  	[tilespmem:s26], [sflag:$0x5] =	stream.indirect_vreg.gather [hbm4b:s1+s3], $0x80, v3, vm0, $0xb8;
	[tilespmem:$0x1D000] =	vst v63  }
0x7c: {  	s28 =	simm.s32 $0x13800  }
0x7d: {  	[tilespmem:s28], [sflag:$0x5] =	stream.indirect_vreg.gather [hbm4b:s5+s3], $0x80, v3, vm0, $0xb8;
	[tilespmem:$0x1D000] =	vst v63  }
0x7e: {  	s29 =	simm.s32 $0x14000  }
0x7f: {  	[tilespmem:s29], [sflag:$0x5] =	stream.indirect_vreg.gather [hbm4b:s6+s3], $0x80, v3, vm0, $0xb8;
	[tilespmem:$0x1D000] =	vst v63  }
0x80: {  	s30 =	simm.s32 $0x14800  }
0x81: {  	[tilespmem:s30], [sflag:$0x5] =	stream.indirect_vreg.gather [hbm4b:s8+s3], $0x80, v3, vm0, $0xb8;
	[tilespmem:$0x1D000] =	vst v63  }
0x82: {  	v3 =	vld [tilespmem:$0x280];
	_ =	sdelay $0x4  }
0x83: {  	v62 =	vshll.u32 v3, $0x3  }
0x84: {  	v3 =	vand.u32 $0x7, v3;
	v4 =	vand.u32 $0xFFFFFFC0, v62  }
0x85: {  	v3 =	vor.u32 v3, v4  }
0x86: {  	v4 =	vperm.xlane v3, v0;
	_ =	sdelay $0x1  }
0x87: {  	v4 =	vadd.s32 v1, v4;
	_ =	sdelay $0x4  }
0x88: {  	[tilespmem:s4], [sflag:$0x6] =	stream.indirect_vreg.gather [hbm4b:s1+s3], $0x80, v4, vm0, $0xb8;
	[tilespmem:$0x1D000] =	vst v63  }
0x89: {  	s31 =	simm.s32 $0x15800;
	v3 =	vperm.xlane v3, v2  }
0x8a: {  	[tilespmem:s31], [sflag:$0x6] =	stream.indirect_vreg.gather [hbm4b:s5+s3], $0x80, v4, vm0, $0xb8;
	[tilespmem:$0x1D000] =	vst v63  }
0x8b: {  	s24 =	simm.s32 $0x16000;
	v3 =	vadd.s32 v1, v3  }
0x8c: {  	[tilespmem:s24], [sflag:$0x6] =	stream.indirect_vreg.gather [hbm4b:s6+s3], $0x80, v4, vm0, $0xb8;
	[tilespmem:$0x1D000] =	vst v63  }
0x8d: {  	s25 =	simm.s32 $0x16800  }
0x8e: {  	[tilespmem:s25], [sflag:$0x6] =	stream.indirect_vreg.gather [hbm4b:s8+s3], $0x80, v4, vm0, $0xb8;
	[tilespmem:$0x1D000] =	vst v63  }
0x8f: {  	s26 =	simm.s32 $0x17000  }
0x90: {  	[tilespmem:s26], [sflag:$0x6] =	stream.indirect_vreg.gather [hbm4b:s1+s3], $0x80, v3, vm0, $0xb8;
	[tilespmem:$0x1D000] =	vst v63  }
0x91: {  	s28 =	simm.s32 $0x17800  }
0x92: {  	[tilespmem:s28], [sflag:$0x6] =	stream.indirect_vreg.gather [hbm4b:s5+s3], $0x80, v3, vm0, $0xb8;
	[tilespmem:$0x1D000] =	vst v63  }
0x93: {  	s29 =	simm.s32 $0x18000  }
0x94: {  	[tilespmem:s29], [sflag:$0x6] =	stream.indirect_vreg.gather [hbm4b:s6+s3], $0x80, v3, vm0, $0xb8;
	[tilespmem:$0x1D000] =	vst v63  }
0x95: {  	s30 =	simm.s32 $0x18800  }
0x96: {  	[tilespmem:s30], [sflag:$0x6] =	stream.indirect_vreg.gather [hbm4b:s8+s3], $0x80, v3, vm0, $0xb8;
	[tilespmem:$0x1D000] =	vst v63  }
0x97: {  	v3 =	vld [tilespmem:$0x300];
	_ =	sdelay $0x4  }
0x98: {  	v63 =	vshll.u32 v3, $0x3  }
0x99: {  	v3 =	vand.u32 $0x7, v3;
	v4 =	vand.u32 $0xFFFFFFC0, v63  }
0x9a: {  	v3 =	vor.u32 v3, v4  }
0x9b: {  	v4 =	vperm.xlane v3, v0;
	_ =	sdelay $0x1  }
0x9c: {  	v4 =	vadd.s32 v1, v4;
	_ =	sdelay $0x4  }
0x9d: {  	[tilespmem:s9], [sflag:$0x7] =	stream.indirect_vreg.gather [hbm4b:s1+s3], $0x80, v4, vm0, $0xb8;
	[tilespmem:$0x1D000] =	vst v63  }
0x9e: {  	s31 =	simm.s32 $0x19800;
	v3 =	vperm.xlane v3, v2  }
0x9f: {  	[tilespmem:s31], [sflag:$0x7] =	stream.indirect_vreg.gather [hbm4b:s5+s3], $0x80, v4, vm0, $0xb8;
	[tilespmem:$0x1D000] =	vst v63  }
0xa0: {  	s24 =	simm.s32 $0x1A000;
	v3 =	vadd.s32 v1, v3  }
0xa1: {  	[tilespmem:s24], [sflag:$0x7] =	stream.indirect_vreg.gather [hbm4b:s6+s3], $0x80, v4, vm0, $0xb8;
	[tilespmem:$0x1D000] =	vst v63  }
0xa2: {  	s25 =	simm.s32 $0x1A800  }
0xa3: {  	[tilespmem:s25], [sflag:$0x7] =	stream.indirect_vreg.gather [hbm4b:s8+s3], $0x80, v4, vm0, $0xb8;
	[tilespmem:$0x1D000] =	vst v63  }
0xa4: {  	s26 =	simm.s32 $0x1B000  }
0xa5: {  	[tilespmem:s26], [sflag:$0x7] =	stream.indirect_vreg.gather [hbm4b:s1+s3], $0x80, v3, vm0, $0xb8;
	[tilespmem:$0x1D000] =	vst v63  }
0xa6: {  	s28 =	simm.s32 $0x1B800  }
0xa7: {  	[tilespmem:s28], [sflag:$0x7] =	stream.indirect_vreg.gather [hbm4b:s5+s3], $0x80, v3, vm0, $0xb8;
	[tilespmem:$0x1D000] =	vst v63  }
0xa8: {  	s29 =	simm.s32 $0x1C000  }
0xa9: {  	[tilespmem:s29], [sflag:$0x7] =	stream.indirect_vreg.gather [hbm4b:s6+s3], $0x80, v3, vm0, $0xb8;
	[tilespmem:$0x1D000] =	vst v63  }
0xaa: {  	s30 =	simm.s32 $0x1C800  }
0xab: {  	[tilespmem:s30], [sflag:$0x7] =	stream.indirect_vreg.gather [hbm4b:s8+s3], $0x80, v3, vm0, $0xb8;
	[tilespmem:$0x1D000] =	vst v63  }
0xac: {  	s31 =	rddreg [dreg:$0x5];
	s24 =	simm.s32 $0x800  }
0xad: {  	[tilespmem:s24], [sflag:$0xF] =	stream.linear.gather [hbm4b:s31+s3], $0x800, $0x38;
	[tilespmem:$0x1D000] =	vst v63  }
0xae: {  	_ =	swait.ge [sflag:s23], $0x800  }
0xaf: {  	[sflag:s23] =	ssyncset.done $0x0  }
0xb0: {  	p0 =	por $0x1, $0x1;
	s21 =	simm.s32 $0x0;
	[sflag:s23] =	ssyncadd.s32 $0xFFFFF800  }
.LBB2_2:
0xb1: {  	s23 =	smul.u32 $0xE00, s21  }
0xb2: {  	_ =	swait.ge [sflag:s13], $0x4000  }
0xb3: {  	s25 =	simm.s32 $0x0;
	[sflag:s13] =	ssyncset.done $0x0;
	s23 =	sshra.s32 s23, $0x2  }
0xb4: {  	s26 =	simm.s32 $0x1000;
	[sflag:s13] =	ssyncadd.s32 $0xFFFFC000;
	s24 =	sadd.s32 $0x800, s23  }
.LBB2_3:
0xb5: {  	v5 =	vld [tilespmem:s26+$0x70]  }
0xb6: {  	v6 =	vld [tilespmem:s26+$0x2070]  }
0xb7: {  	v8 =	vld [tilespmem:s26+$0x2000]  }
0xb8: {  	v7 =	vld [tilespmem:s26+$0x10]  }
0xb9: {  	s28 =	sadd.s32 s25, s24;
	v9 =	vld [tilespmem:s26+$0x2010]  }
0xba: {  	v3 =	vld.msk [tilespmem:s28+$0x0 ss:$0x0], $0xffff  }
0xbb: {  	v4 =	vld.msk [tilespmem:s28+$0x8 ss:$0x0], $0xffff  }
0xbc: {  	v10 =	vld [tilespmem:s26+$0x20]  }
0xbd: {  	v11 =	vld [tilespmem:s26+$0x2020]  }
0xbe: {  	v12 =	vld [tilespmem:s26+$0x30]  }
0xbf: {  	v13 =	vld [tilespmem:s26+$0x2030]  }
0xc0: {  	v14 =	vld [tilespmem:s26+$0x40];
	v5 =	vmul.f32 v5, v3;
	v6 =	vmul.f32 v6, v4  }
0xc1: {  	v16 =	vld [tilespmem:s26+$0x2040];
	v15 =	vmul.f32 v7, v3;
	v9 =	vmul.f32 v9, v4  }
0xc2: {  	v10 =	vmul.f32 v10, v3;
	v11 =	vmul.f32 v11, v4;
	v7 =	vld [tilespmem:s26+$0x50];
	v5 =	vadd.f32 v6, v5  }
0xc3: {  	v15 =	vadd.f32 v9, v15;
	v6 =	vld [tilespmem:s26+$0x2050]  }
0xc4: {  	v12 =	vmul.f32 v12, v3;
	v13 =	vmul.f32 v13, v4;
	v17 =	vadd.f32 v11, v10;
	v9 =	vld [tilespmem:s26+$0x60];
	[tilespmem:s26+$0x70] =	vst v5  }
0xc5: {  	v10 =	vld [tilespmem:s26+$0x2060];
	v11 =	vmul.f32 v14, v3;
	[tilespmem:s26+$0x10] =	vst v15  }
0xc6: {  	s29 =	simm.s32 $0x0;
	s30 =	sadd.s32 $0x400, s26;
	s28 =	smov.u32 s26;
	v12 =	vadd.f32 v13, v12;
	v13 =	vmul.f32 v16, v4;
	v5 =	vmul.f32 v8, v4;
	v8 =	vld [tilespmem:s26+$0x0];
	[tilespmem:s26+$0x20] =	vst v17  }
.LBB2_4:
0xc7: {  	v14 =	vld [tilespmem:s30+$0x70];
	v7 =	vmul.f32 v7, v3  }
0xc8: {  	s29 =	sadd.s32 $0x8, s29;
	v15 =	vld [tilespmem:s30+$0x2070];
	[tilespmem:s28+$0x30] =	vst v12;
	v11 =	vadd.f32 v13, v11;
	v6 =	vmul.f32 v6, v4  }
0xc9: {  	p1 =	slt.u32 s29, $0x38;
	v12 =	vld [tilespmem:s30+$0x2000];
	v9 =	vmul.f32 v9, v3  }
0xca: {  	v13 =	vld [tilespmem:s30+$0x10];
	[tilespmem:s28+$0x40] =	vst v11;
	v6 =	vadd.f32 v6, v7;
	v7 =	vmul.f32 v10, v4  }
0xcb: {  	v10 =	vld [tilespmem:s30+$0x2010];
	v8 =	vmul.f32 v8, v3  }
0xcc: {  	v11 =	vld [tilespmem:s30+$0x20];
	[tilespmem:s28+$0x50] =	vst v6;
	v6 =	vadd.f32 v7, v9  }
0xcd: {  	v9 =	vmul.f32 v14, v3;
	v7 =	vld [tilespmem:s30+$0x2020];
	v14 =	vmul.f32 v15, v4;
	v8 =	vadd.f32 v5, v8  }
0xce: {  	v5 =	vmul.f32 v12, v4;
	v12 =	vld [tilespmem:s30+$0x30];
	[tilespmem:s28+$0x60] =	vst v6  }
0xcf: {  	v6 =	vmul.f32 v13, v3;
	v13 =	vld [tilespmem:s30+$0x2030];
	v9 =	vadd.f32 v14, v9;
	[tilespmem:s28+$0x0] =	vst v8;
	s28 =	smov.u32 s30  }
0xd0: {  	v8 =	vmul.f32 v10, v4;
	v10 =	vld [tilespmem:s30+$0x40]  }
0xd1: {  	v11 =	vmul.f32 v11, v3;
	v14 =	vld [tilespmem:s30+$0x2040];
	[tilespmem:s30+$0x70] =	vst v9  }
.Ltmp0:
0xd2: {  	v8 =	vadd.f32 v8, v6;
	v9 =	vmul.f32 v7, v4;
	v7 =	vld [tilespmem:s30+$0x50];
	(pc) =	sbr.rel @p1 .LBB2_4-.Ltmp0, $4  }
0xd3: {  	v12 =	vmul.f32 v12, v3;
	v6 =	vld [tilespmem:s30+$0x2050]  }
0xd4: {  	[tilespmem:s30+$0x10] =	vst v8;
	v15 =	vadd.f32 v9, v11;
	v13 =	vmul.f32 v13, v4;
	v9 =	vld [tilespmem:s30+$0x60]  }
0xd5: {  	v11 =	vmul.f32 v10, v3;
	v10 =	vld [tilespmem:s30+$0x2060]  }
0xd6: {  	s30 =	sadd.s32 $0x400, s30;
	v8 =	vld [tilespmem:s28+$0x0];
	[tilespmem:s28+$0x20] =	vst v15;
	v12 =	vadd.f32 v13, v12;
	v13 =	vmul.f32 v14, v4  }
0xd7: {  	_ =	sdelay $0x1  }
0xd8: {  	v7 =	vmul.f32 v7, v3;
	s25 =	sadd.s32 $0x1, s25;
	v6 =	vmul.f32 v6, v4  }
0xd9: {  	v11 =	vadd.f32 v13, v11;
	p1 =	sne.s32 s25, $0x8;
	v9 =	vmul.f32 v9, v3;
	v63 =	vmul.f32 v10, v4  }
.Ltmp1:
0xda: {  	[tilespmem:s28+$0x30] =	vst v12;
	v6 =	vadd.f32 v6, v7;
	v3 =	vmul.f32 v8, v3;
	(pc) =	sbr.rel @p1 .LBB2_3-.Ltmp1, $4  }
0xdb: {  	[tilespmem:s28+$0x40] =	vst v11;
	v4 =	vadd.f32 v63, v9  }
0xdc: {  	[tilespmem:s28+$0x50] =	vst v6;
	v3 =	vadd.f32 v5, v3  }
0xdd: {  	[tilespmem:s28+$0x60] =	vst v4  }
0xde: {  	s26 =	sadd.s32 $0x80, s26;
	[tilespmem:s28+$0x0] =	vst v3  }
0xdf: {  	s24 =	smul.u32 $0x1C00, s21;
	_ =	sdelay $0x1  }
0xe0: {  	s25 =	sadd.s32 s24, s7;
	s24 =	simm.s32 $0x0  }
0xe1: {  	[hbm4b:s25+s24] =	stream.linear.scatter [tilespmem:s14], [sflag:$0x8], $0x2000, $0x38;
	[tilespmem:$0x1D000] =	vst v63  }
0xe2: {  	_ =	swait.ge [sflag:s10], $0x2000  }
0xe3: {  	[sflag:s10] =	ssyncset.done $0x0  }
0xe4: {  	[sflag:s10] =	ssyncadd.s32 $0xFFFFE000  }
0xe5: {  	v3 =	vld [tilespmem:s23+$0x380];
	_ =	sdelay $0x4  }
0xe6: {  	v4 =	vshll.u32 v3, $0x3  }
0xe7: {  	v3 =	vand.u32 $0x7, v3;
	v4 =	vand.u32 $0xFFFFFFC0, v4  }
0xe8: {  	v3 =	vor.u32 v3, v4  }
0xe9: {  	v4 =	vperm.xlane v3, v0;
	_ =	sdelay $0x1  }
0xea: {  	v4 =	vadd.s32 v1, v4;
	_ =	sdelay $0x4  }
0xeb: {  	[tilespmem:s14], [sflag:$0x1] =	stream.indirect_vreg.gather [hbm4b:s1+s24], $0x80, v4, vm0, $0xb8;
	[tilespmem:$0x1D000] =	vst v63  }
0xec: {  	s28 =	simm.s32 $0x1800;
	v3 =	vperm.xlane v3, v2  }
0xed: {  	[tilespmem:s28], [sflag:$0x1] =	stream.indirect_vreg.gather [hbm4b:s5+s24], $0x80, v4, vm0, $0xb8;
	[tilespmem:$0x1D000] =	vst v63  }
0xee: {  	s30 =	simm.s32 $0x2000;
	v3 =	vadd.s32 v1, v3  }
0xef: {  	[tilespmem:s30], [sflag:$0x1] =	stream.indirect_vreg.gather [hbm4b:s6+s24], $0x80, v4, vm0, $0xb8;
	[tilespmem:$0x1D000] =	vst v63  }
0xf0: {  	s31 =	simm.s32 $0x2800  }
0xf1: {  	[tilespmem:s31], [sflag:$0x1] =	stream.indirect_vreg.gather [hbm4b:s8+s24], $0x80, v4, vm0, $0xb8;
	[tilespmem:$0x1D000] =	vst v63  }
0xf2: {  	s26 =	simm.s32 $0x3000  }
0xf3: {  	[tilespmem:s26], [sflag:$0x1] =	stream.indirect_vreg.gather [hbm4b:s1+s24], $0x80, v3, vm0, $0xb8;
	[tilespmem:$0x1D000] =	vst v63  }
0xf4: {  	s28 =	simm.s32 $0x3800  }
0xf5: {  	[tilespmem:s28], [sflag:$0x1] =	stream.indirect_vreg.gather [hbm4b:s5+s24], $0x80, v3, vm0, $0xb8;
	[tilespmem:$0x1D000] =	vst v63  }
0xf6: {  	s21 =	smul.u32 $0x7, s21;
	s30 =	simm.s32 $0x4000  }
0xf7: {  	[tilespmem:s30], [sflag:$0x1] =	stream.indirect_vreg.gather [hbm4b:s6+s24], $0x80, v3, vm0, $0xb8;
	[tilespmem:$0x1D000] =	vst v63  }
0xf8: {  	s25 =	sadd.s32 $0x1, s21;
	s31 =	simm.s32 $0x4800  }
0xf9: {  	[tilespmem:s31], [sflag:$0x1] =	stream.indirect_vreg.gather [hbm4b:s8+s24], $0x80, v3, vm0, $0xb8;
	[tilespmem:$0x1D000] =	vst v63  }
0xfa: {  	s26 =	sshll.u32 s25, $0x7;
	_ =	swait.ge [sflag:s11], $0x4000  }
0xfb: {  	s26 =	sand.u32 $0x3FFFFF80, s26;
	[sflag:s11] =	ssyncset.done $0x0  }
0xfc: {  	s29 =	simm.s32 $0x5000;
	s26 =	sadd.s32 $0x800, s26;
	[sflag:s11] =	ssyncadd.s32 $0xFFFFC000  }
.LBB2_7:
0xfd: {  	v5 =	vld [tilespmem:s29+$0x70]  }
0xfe: {  	v6 =	vld [tilespmem:s29+$0x2070]  }
0xff: {  	v8 =	vld [tilespmem:s29+$0x2000]  }
0x100: {  	v7 =	vld [tilespmem:s29+$0x10]  }
0x101: {  	s28 =	sadd.s32 s24, s26;
	v9 =	vld [tilespmem:s29+$0x2010]  }
0x102: {  	v3 =	vld.msk [tilespmem:s28+$0x0 ss:$0x0], $0xffff  }
0x103: {  	v4 =	vld.msk [tilespmem:s28+$0x8 ss:$0x0], $0xffff  }
0x104: {  	v10 =	vld [tilespmem:s29+$0x20]  }
0x105: {  	v11 =	vld [tilespmem:s29+$0x2020]  }
0x106: {  	v12 =	vld [tilespmem:s29+$0x30]  }
0x107: {  	v13 =	vld [tilespmem:s29+$0x2030]  }
0x108: {  	v14 =	vld [tilespmem:s29+$0x40];
	v5 =	vmul.f32 v5, v3;
	v6 =	vmul.f32 v6, v4  }
0x109: {  	v16 =	vld [tilespmem:s29+$0x2040];
	v15 =	vmul.f32 v7, v3;
	v9 =	vmul.f32 v9, v4  }
0x10a: {  	v10 =	vmul.f32 v10, v3;
	v11 =	vmul.f32 v11, v4;
	v7 =	vld [tilespmem:s29+$0x50];
	v5 =	vadd.f32 v6, v5  }
0x10b: {  	v15 =	vadd.f32 v9, v15;
	v6 =	vld [tilespmem:s29+$0x2050]  }
0x10c: {  	v12 =	vmul.f32 v12, v3;
	v13 =	vmul.f32 v13, v4;
	v17 =	vadd.f32 v11, v10;
	v9 =	vld [tilespmem:s29+$0x60];
	[tilespmem:s29+$0x70] =	vst v5  }
0x10d: {  	v10 =	vld [tilespmem:s29+$0x2060];
	v11 =	vmul.f32 v14, v3;
	[tilespmem:s29+$0x10] =	vst v15  }
0x10e: {  	s30 =	simm.s32 $0x0;
	s31 =	sadd.s32 $0x400, s29;
	s28 =	smov.u32 s29;
	v12 =	vadd.f32 v13, v12;
	v13 =	vmul.f32 v16, v4;
	v5 =	vmul.f32 v8, v4;
	v8 =	vld [tilespmem:s29+$0x0];
	[tilespmem:s29+$0x20] =	vst v17  }
.LBB2_8:
0x10f: {  	v14 =	vld [tilespmem:s31+$0x70];
	v7 =	vmul.f32 v7, v3  }
0x110: {  	s30 =	sadd.s32 $0x8, s30;
	v15 =	vld [tilespmem:s31+$0x2070];
	[tilespmem:s28+$0x30] =	vst v12;
	v11 =	vadd.f32 v13, v11;
	v6 =	vmul.f32 v6, v4  }
0x111: {  	p1 =	slt.u32 s30, $0x38;
	v12 =	vld [tilespmem:s31+$0x2000];
	v9 =	vmul.f32 v9, v3  }
0x112: {  	v13 =	vld [tilespmem:s31+$0x10];
	[tilespmem:s28+$0x40] =	vst v11;
	v6 =	vadd.f32 v6, v7;
	v7 =	vmul.f32 v10, v4  }
0x113: {  	v10 =	vld [tilespmem:s31+$0x2010];
	v8 =	vmul.f32 v8, v3  }
0x114: {  	v11 =	vld [tilespmem:s31+$0x20];
	[tilespmem:s28+$0x50] =	vst v6;
	v6 =	vadd.f32 v7, v9  }
0x115: {  	v9 =	vmul.f32 v14, v3;
	v7 =	vld [tilespmem:s31+$0x2020];
	v14 =	vmul.f32 v15, v4;
	v8 =	vadd.f32 v5, v8  }
0x116: {  	v5 =	vmul.f32 v12, v4;
	v12 =	vld [tilespmem:s31+$0x30];
	[tilespmem:s28+$0x60] =	vst v6  }
0x117: {  	v6 =	vmul.f32 v13, v3;
	v13 =	vld [tilespmem:s31+$0x2030];
	v9 =	vadd.f32 v14, v9;
	[tilespmem:s28+$0x0] =	vst v8;
	s28 =	smov.u32 s31  }
0x118: {  	v8 =	vmul.f32 v10, v4;
	v10 =	vld [tilespmem:s31+$0x40]  }
0x119: {  	v11 =	vmul.f32 v11, v3;
	v14 =	vld [tilespmem:s31+$0x2040];
	[tilespmem:s31+$0x70] =	vst v9  }
.Ltmp2:
0x11a: {  	v8 =	vadd.f32 v8, v6;
	v9 =	vmul.f32 v7, v4;
	v7 =	vld [tilespmem:s31+$0x50];
	(pc) =	sbr.rel @p1 .LBB2_8-.Ltmp2, $4  }
0x11b: {  	v12 =	vmul.f32 v12, v3;
	v6 =	vld [tilespmem:s31+$0x2050]  }
0x11c: {  	[tilespmem:s31+$0x10] =	vst v8;
	v15 =	vadd.f32 v9, v11;
	v13 =	vmul.f32 v13, v4;
	v9 =	vld [tilespmem:s31+$0x60]  }
0x11d: {  	v11 =	vmul.f32 v10, v3;
	v10 =	vld [tilespmem:s31+$0x2060]  }
0x11e: {  	s31 =	sadd.s32 $0x400, s31;
	v8 =	vld [tilespmem:s28+$0x0];
	[tilespmem:s28+$0x20] =	vst v15;
	v12 =	vadd.f32 v13, v12;
	v13 =	vmul.f32 v14, v4  }
0x11f: {  	_ =	sdelay $0x1  }
0x120: {  	v7 =	vmul.f32 v7, v3;
	s24 =	sadd.s32 $0x1, s24;
	v6 =	vmul.f32 v6, v4  }
0x121: {  	v11 =	vadd.f32 v13, v11;
	p1 =	sne.s32 s24, $0x8;
	v9 =	vmul.f32 v9, v3;
	v63 =	vmul.f32 v10, v4  }
.Ltmp3:
0x122: {  	[tilespmem:s28+$0x30] =	vst v12;
	v6 =	vadd.f32 v6, v7;
	v3 =	vmul.f32 v8, v3;
	(pc) =	sbr.rel @p1 .LBB2_7-.Ltmp3, $4  }
0x123: {  	[tilespmem:s28+$0x40] =	vst v11;
	v4 =	vadd.f32 v63, v9  }
0x124: {  	[tilespmem:s28+$0x50] =	vst v6;
	v3 =	vadd.f32 v5, v3  }
0x125: {  	[tilespmem:s28+$0x60] =	vst v4  }
0x126: {  	s29 =	sadd.s32 $0x80, s29;
	[tilespmem:s28+$0x0] =	vst v3  }
0x127: {  	s24 =	sshll.u32 s25, $0xA  }
0x128: {  	s25 =	sadd.s32 s24, s7;
	s24 =	simm.s32 $0x0  }
0x129: {  	[hbm4b:s25+s24] =	stream.linear.scatter [tilespmem:s22], [sflag:$0x9], $0x2000, $0x38;
	[tilespmem:$0x1D000] =	vst v63  }
0x12a: {  	_ =	swait.ge [sflag:s15], $0x2000  }
0x12b: {  	[sflag:s15] =	ssyncset.done $0x0  }
0x12c: {  	[sflag:s15] =	ssyncadd.s32 $0xFFFFE000  }
0x12d: {  	v3 =	vld [tilespmem:s23+$0x400];
	_ =	sdelay $0x4  }
0x12e: {  	v4 =	vshll.u32 v3, $0x3  }
0x12f: {  	v3 =	vand.u32 $0x7, v3;
	v4 =	vand.u32 $0xFFFFFFC0, v4  }
0x130: {  	v3 =	vor.u32 v3, v4  }
0x131: {  	v4 =	vperm.xlane v3, v0;
	_ =	sdelay $0x1  }
0x132: {  	v4 =	vadd.s32 v1, v4;
	_ =	sdelay $0x4  }
0x133: {  	[tilespmem:s22], [sflag:$0x2] =	stream.indirect_vreg.gather [hbm4b:s1+s24], $0x80, v4, vm0, $0xb8;
	[tilespmem:$0x1D000] =	vst v63  }
0x134: {  	s30 =	simm.s32 $0x5800;
	v3 =	vperm.xlane v3, v2  }
0x135: {  	[tilespmem:s30], [sflag:$0x2] =	stream.indirect_vreg.gather [hbm4b:s5+s24], $0x80, v4, vm0, $0xb8;
	[tilespmem:$0x1D000] =	vst v63  }
0x136: {  	s31 =	simm.s32 $0x6000;
	v3 =	vadd.s32 v1, v3  }
0x137: {  	[tilespmem:s31], [sflag:$0x2] =	stream.indirect_vreg.gather [hbm4b:s6+s24], $0x80, v4, vm0, $0xb8;
	[tilespmem:$0x1D000] =	vst v63  }
0x138: {  	s25 =	simm.s32 $0x6800  }
0x139: {  	[tilespmem:s25], [sflag:$0x2] =	stream.indirect_vreg.gather [hbm4b:s8+s24], $0x80, v4, vm0, $0xb8;
	[tilespmem:$0x1D000] =	vst v63  }
0x13a: {  	s26 =	simm.s32 $0x7000  }
0x13b: {  	[tilespmem:s26], [sflag:$0x2] =	stream.indirect_vreg.gather [hbm4b:s1+s24], $0x80, v3, vm0, $0xb8;
	[tilespmem:$0x1D000] =	vst v63  }
0x13c: {  	s28 =	simm.s32 $0x7800  }
0x13d: {  	[tilespmem:s28], [sflag:$0x2] =	stream.indirect_vreg.gather [hbm4b:s5+s24], $0x80, v3, vm0, $0xb8;
	[tilespmem:$0x1D000] =	vst v63  }
0x13e: {  	s29 =	simm.s32 $0x8000  }
0x13f: {  	[tilespmem:s29], [sflag:$0x2] =	stream.indirect_vreg.gather [hbm4b:s6+s24], $0x80, v3, vm0, $0xb8;
	[tilespmem:$0x1D000] =	vst v63  }
0x140: {  	s23 =	sadd.s32 $0x2, s21;
	s30 =	simm.s32 $0x8800  }
0x141: {  	[tilespmem:s30], [sflag:$0x2] =	stream.indirect_vreg.gather [hbm4b:s8+s24], $0x80, v3, vm0, $0xb8;
	[tilespmem:$0x1D000] =	vst v63  }
0x142: {  	s31 =	sshll.u32 s23, $0x7;
	_ =	swait.ge [sflag:s12], $0x4000  }
0x143: {  	s25 =	sand.u32 $0x3FFFFF80, s31;
	[sflag:s12] =	ssyncset.done $0x0  }
0x144: {  	s25 =	sadd.s32 $0x800, s25;
	s26 =	simm.s32 $0x9000;
	[sflag:s12] =	ssyncadd.s32 $0xFFFFC000  }
.LBB2_11:
0x145: {  	v5 =	vld [tilespmem:s26+$0x70]  }
0x146: {  	v6 =	vld [tilespmem:s26+$0x2070]  }
0x147: {  	v8 =	vld [tilespmem:s26+$0x2000]  }
0x148: {  	v7 =	vld [tilespmem:s26+$0x10]  }
0x149: {  	s28 =	sadd.s32 s24, s25;
	v9 =	vld [tilespmem:s26+$0x2010]  }
0x14a: {  	v3 =	vld.msk [tilespmem:s28+$0x0 ss:$0x0], $0xffff  }
0x14b: {  	v4 =	vld.msk [tilespmem:s28+$0x8 ss:$0x0], $0xffff  }
0x14c: {  	v10 =	vld [tilespmem:s26+$0x20]  }
0x14d: {  	v11 =	vld [tilespmem:s26+$0x2020]  }
0x14e: {  	v12 =	vld [tilespmem:s26+$0x30]  }
0x14f: {  	v13 =	vld [tilespmem:s26+$0x2030]  }
0x150: {  	v14 =	vld [tilespmem:s26+$0x40];
	v5 =	vmul.f32 v5, v3;
	v6 =	vmul.f32 v6, v4  }
0x151: {  	v16 =	vld [tilespmem:s26+$0x2040];
	v15 =	vmul.f32 v7, v3;
	v9 =	vmul.f32 v9, v4  }
0x152: {  	v10 =	vmul.f32 v10, v3;
	v11 =	vmul.f32 v11, v4;
	v7 =	vld [tilespmem:s26+$0x50];
	v5 =	vadd.f32 v6, v5  }
0x153: {  	v15 =	vadd.f32 v9, v15;
	v6 =	vld [tilespmem:s26+$0x2050]  }
0x154: {  	v12 =	vmul.f32 v12, v3;
	v13 =	vmul.f32 v13, v4;
	v17 =	vadd.f32 v11, v10;
	v9 =	vld [tilespmem:s26+$0x60];
	[tilespmem:s26+$0x70] =	vst v5  }
0x155: {  	v10 =	vld [tilespmem:s26+$0x2060];
	v11 =	vmul.f32 v14, v3;
	[tilespmem:s26+$0x10] =	vst v15  }
0x156: {  	s29 =	simm.s32 $0x0;
	s30 =	sadd.s32 $0x400, s26;
	s28 =	smov.u32 s26;
	v12 =	vadd.f32 v13, v12;
	v13 =	vmul.f32 v16, v4;
	v5 =	vmul.f32 v8, v4;
	v8 =	vld [tilespmem:s26+$0x0];
	[tilespmem:s26+$0x20] =	vst v17  }
.LBB2_12:
0x157: {  	v14 =	vld [tilespmem:s30+$0x70];
	v7 =	vmul.f32 v7, v3  }
0x158: {  	s29 =	sadd.s32 $0x8, s29;
	v15 =	vld [tilespmem:s30+$0x2070];
	[tilespmem:s28+$0x30] =	vst v12;
	v11 =	vadd.f32 v13, v11;
	v6 =	vmul.f32 v6, v4  }
0x159: {  	p1 =	slt.u32 s29, $0x38;
	v12 =	vld [tilespmem:s30+$0x2000];
	v9 =	vmul.f32 v9, v3  }
0x15a: {  	v13 =	vld [tilespmem:s30+$0x10];
	[tilespmem:s28+$0x40] =	vst v11;
	v6 =	vadd.f32 v6, v7;
	v7 =	vmul.f32 v10, v4  }
0x15b: {  	v10 =	vld [tilespmem:s30+$0x2010];
	v8 =	vmul.f32 v8, v3  }
0x15c: {  	v11 =	vld [tilespmem:s30+$0x20];
	[tilespmem:s28+$0x50] =	vst v6;
	v6 =	vadd.f32 v7, v9  }
0x15d: {  	v9 =	vmul.f32 v14, v3;
	v7 =	vld [tilespmem:s30+$0x2020];
	v14 =	vmul.f32 v15, v4;
	v8 =	vadd.f32 v5, v8  }
0x15e: {  	v5 =	vmul.f32 v12, v4;
	v12 =	vld [tilespmem:s30+$0x30];
	[tilespmem:s28+$0x60] =	vst v6  }
0x15f: {  	v6 =	vmul.f32 v13, v3;
	v13 =	vld [tilespmem:s30+$0x2030];
	v9 =	vadd.f32 v14, v9;
	[tilespmem:s28+$0x0] =	vst v8;
	s28 =	smov.u32 s30  }
0x160: {  	v8 =	vmul.f32 v10, v4;
	v10 =	vld [tilespmem:s30+$0x40]  }
0x161: {  	v11 =	vmul.f32 v11, v3;
	v14 =	vld [tilespmem:s30+$0x2040];
	[tilespmem:s30+$0x70] =	vst v9  }
.Ltmp4:
0x162: {  	v8 =	vadd.f32 v8, v6;
	v9 =	vmul.f32 v7, v4;
	v7 =	vld [tilespmem:s30+$0x50];
	(pc) =	sbr.rel @p1 .LBB2_12-.Ltmp4, $4  }
0x163: {  	v12 =	vmul.f32 v12, v3;
	v6 =	vld [tilespmem:s30+$0x2050]  }
0x164: {  	[tilespmem:s30+$0x10] =	vst v8;
	v15 =	vadd.f32 v9, v11;
	v13 =	vmul.f32 v13, v4;
	v9 =	vld [tilespmem:s30+$0x60]  }
0x165: {  	v11 =	vmul.f32 v10, v3;
	v10 =	vld [tilespmem:s30+$0x2060]  }
0x166: {  	s30 =	sadd.s32 $0x400, s30;
	v8 =	vld [tilespmem:s28+$0x0];
	[tilespmem:s28+$0x20] =	vst v15;
	v12 =	vadd.f32 v13, v12;
	v13 =	vmul.f32 v14, v4  }
0x167: {  	_ =	sdelay $0x1  }
0x168: {  	v7 =	vmul.f32 v7, v3;
	s24 =	sadd.s32 $0x1, s24;
	v6 =	vmul.f32 v6, v4  }
0x169: {  	v11 =	vadd.f32 v13, v11;
	p1 =	sne.s32 s24, $0x8;
	v9 =	vmul.f32 v9, v3;
	v63 =	vmul.f32 v10, v4  }
.Ltmp5:
0x16a: {  	[tilespmem:s28+$0x30] =	vst v12;
	v6 =	vadd.f32 v6, v7;
	v3 =	vmul.f32 v8, v3;
	(pc) =	sbr.rel @p1 .LBB2_11-.Ltmp5, $4  }
0x16b: {  	[tilespmem:s28+$0x40] =	vst v11;
	v4 =	vadd.f32 v63, v9  }
0x16c: {  	[tilespmem:s28+$0x50] =	vst v6;
	v3 =	vadd.f32 v5, v3  }
0x16d: {  	[tilespmem:s28+$0x60] =	vst v4  }
0x16e: {  	s26 =	sadd.s32 $0x80, s26;
	[tilespmem:s28+$0x0] =	vst v3  }
0x16f: {  	s23 =	sshll.u32 s23, $0xA  }
0x170: {  	s24 =	simm.s32 $0x9000;
	s23 =	sadd.s32 s23, s7  }
0x171: {  	[hbm4b:s23+s3] =	stream.linear.scatter [tilespmem:s24], [sflag:$0xA], $0x2000, $0x38;
	[tilespmem:$0x1D000] =	vst v63  }
0x172: {  	s23 =	simm.s32 @p0 $0xA  }
0x173: {  	_ =	swait.ge @p0 [sflag:s23], $0x2000  }
0x174: {  	[sflag:s23] =	ssyncset.done @p0 $0x0  }
0x175: {  	[sflag:s23] =	ssyncadd.s32 @p0 $0xFFFFE000  }
0x176: {  	v3 =	vld @p0 [tilespmem:$0x480];
	_ =	sdelay $0x4  }
0x177: {  	v4 =	vshll.u32 @p0 v3, $0x3  }
0x178: {  	v5 =	vlaneseq.u32 @p0;
	v3 =	vand.u32 @p0 $0x7, v3;
	v4 =	vand.u32 @p0 $0xFFFFFFC0, v4  }
0x179: {  	v6 =	vshrl.u32 @p0 v5, $0x3;
	v3 =	vor.u32 @p0 v3, v4;
	v4 =	vand.u32 @p0 $0x7, v5  }
0x17a: {  	v6 =	vmul.u32 @p0 $0x8, v6;
	v4 =	vperm.xlane @p0 v3, v4;
	_ =	sdelay $0x1  }
0x17b: {  	v4 =	vadd.s32 @p0 v6, v4;
	_ =	sdelay $0x3  }
0x17c: {  	vm1 =	vmmov @p0 $0xffff;
	s24 =	simm.s32 @p0 $0x9000;
	s23 =	simm.s32 @p0 $0x0  }
0x17d: {  	v5 =	vor.u32 @p0 $0x8, v5;
	[tilespmem:s24], [sflag:$0x3] =	stream.indirect_vreg.gather @p0 [hbm4b:s1+s23], $0x80, v4, vm1, $0xb8;
	[tilespmem:$0x1D000] =	vst v63  }
0x17e: {  	v3 =	vperm.xlane @p0 v3, v5;
	s24 =	simm.s32 @p0 $0x9800  }
0x17f: {  	[tilespmem:s24], [sflag:$0x3] =	stream.indirect_vreg.gather @p0 [hbm4b:s5+s23], $0x80, v4, vm1, $0xb8;
	[tilespmem:$0x1D000] =	vst v63  }
0x180: {  	v3 =	vadd.s32 @p0 v6, v3;
	s24 =	simm.s32 @p0 $0xA000  }
0x181: {  	[tilespmem:s24], [sflag:$0x3] =	stream.indirect_vreg.gather @p0 [hbm4b:s6+s23], $0x80, v4, vm1, $0xb8;
	[tilespmem:$0x1D000] =	vst v63  }
0x182: {  	s24 =	simm.s32 @p0 $0xA800  }
0x183: {  	[tilespmem:s24], [sflag:$0x3] =	stream.indirect_vreg.gather @p0 [hbm4b:s8+s23], $0x80, v4, vm1, $0xb8;
	[tilespmem:$0x1D000] =	vst v63  }
0x184: {  	s24 =	simm.s32 @p0 $0xB000  }
0x185: {  	[tilespmem:s24], [sflag:$0x3] =	stream.indirect_vreg.gather @p0 [hbm4b:s1+s23], $0x80, v3, vm1, $0xb8;
	[tilespmem:$0x1D000] =	vst v63  }
0x186: {  	s24 =	simm.s32 @p0 $0xB800  }
0x187: {  	[tilespmem:s24], [sflag:$0x3] =	stream.indirect_vreg.gather @p0 [hbm4b:s5+s23], $0x80, v3, vm1, $0xb8;
	[tilespmem:$0x1D000] =	vst v63  }
0x188: {  	s24 =	simm.s32 @p0 $0xC000  }
0x189: {  	[tilespmem:s24], [sflag:$0x3] =	stream.indirect_vreg.gather @p0 [hbm4b:s6+s23], $0x80, v3, vm1, $0xb8;
	[tilespmem:$0x1D000] =	vst v63  }
0x18a: {  	s24 =	simm.s32 @p0 $0xC800  }
0x18b: {  	[tilespmem:s24], [sflag:$0x3] =	stream.indirect_vreg.gather @p0 [hbm4b:s8+s23], $0x80, v3, vm1, $0xb8;
	[tilespmem:$0x1D000] =	vst v63  }
0x18c: {  	s23 =	sadd.s32 $0x3, s21  }
0x18d: {  	_ =	swait.ge [sflag:s16], $0x4000;
	s31 =	sshll.u32 s23, $0x7  }
0x18e: {  	s25 =	simm.s32 $0x0;
	[sflag:s16] =	ssyncset.done $0x0;
	s24 =	sand.u32 $0x3FFFFF80, s31  }
0x18f: {  	s26 =	simm.s32 $0xD000;
	[sflag:s16] =	ssyncadd.s32 $0xFFFFC000;
	s24 =	sadd.s32 $0x800, s24  }
.LBB2_15:
0x190: {  	v5 =	vld [tilespmem:s26+$0x70]  }
0x191: {  	v6 =	vld [tilespmem:s26+$0x2070]  }
0x192: {  	v8 =	vld [tilespmem:s26+$0x2000]  }
0x193: {  	v7 =	vld [tilespmem:s26+$0x10]  }
0x194: {  	s28 =	sadd.s32 s25, s24;
	v9 =	vld [tilespmem:s26+$0x2010]  }
0x195: {  	v3 =	vld.msk [tilespmem:s28+$0x0 ss:$0x0], $0xffff  }
0x196: {  	v4 =	vld.msk [tilespmem:s28+$0x8 ss:$0x0], $0xffff  }
0x197: {  	v10 =	vld [tilespmem:s26+$0x20]  }
0x198: {  	v11 =	vld [tilespmem:s26+$0x2020]  }
0x199: {  	v12 =	vld [tilespmem:s26+$0x30]  }
0x19a: {  	v13 =	vld [tilespmem:s26+$0x2030]  }
0x19b: {  	v14 =	vld [tilespmem:s26+$0x40];
	v5 =	vmul.f32 v5, v3;
	v6 =	vmul.f32 v6, v4  }
0x19c: {  	v16 =	vld [tilespmem:s26+$0x2040];
	v15 =	vmul.f32 v7, v3;
	v9 =	vmul.f32 v9, v4  }
0x19d: {  	v10 =	vmul.f32 v10, v3;
	v11 =	vmul.f32 v11, v4;
	v7 =	vld [tilespmem:s26+$0x50];
	v5 =	vadd.f32 v6, v5  }
0x19e: {  	v15 =	vadd.f32 v9, v15;
	v6 =	vld [tilespmem:s26+$0x2050]  }
0x19f: {  	v12 =	vmul.f32 v12, v3;
	v13 =	vmul.f32 v13, v4;
	v17 =	vadd.f32 v11, v10;
	v9 =	vld [tilespmem:s26+$0x60];
	[tilespmem:s26+$0x70] =	vst v5  }
0x1a0: {  	v10 =	vld [tilespmem:s26+$0x2060];
	v11 =	vmul.f32 v14, v3;
	[tilespmem:s26+$0x10] =	vst v15  }
0x1a1: {  	s29 =	simm.s32 $0x0;
	s30 =	sadd.s32 $0x400, s26;
	s28 =	smov.u32 s26;
	v12 =	vadd.f32 v13, v12;
	v13 =	vmul.f32 v16, v4;
	v5 =	vmul.f32 v8, v4;
	v8 =	vld [tilespmem:s26+$0x0];
	[tilespmem:s26+$0x20] =	vst v17  }
.LBB2_16:
0x1a2: {  	v14 =	vld [tilespmem:s30+$0x70];
	v7 =	vmul.f32 v7, v3  }
0x1a3: {  	s29 =	sadd.s32 $0x8, s29;
	v15 =	vld [tilespmem:s30+$0x2070];
	[tilespmem:s28+$0x30] =	vst v12;
	v11 =	vadd.f32 v13, v11;
	v6 =	vmul.f32 v6, v4  }
0x1a4: {  	p1 =	slt.u32 s29, $0x38;
	v12 =	vld [tilespmem:s30+$0x2000];
	v9 =	vmul.f32 v9, v3  }
0x1a5: {  	v13 =	vld [tilespmem:s30+$0x10];
	[tilespmem:s28+$0x40] =	vst v11;
	v6 =	vadd.f32 v6, v7;
	v7 =	vmul.f32 v10, v4  }
0x1a6: {  	v10 =	vld [tilespmem:s30+$0x2010];
	v8 =	vmul.f32 v8, v3  }
0x1a7: {  	v11 =	vld [tilespmem:s30+$0x20];
	[tilespmem:s28+$0x50] =	vst v6;
	v6 =	vadd.f32 v7, v9  }
0x1a8: {  	v9 =	vmul.f32 v14, v3;
	v7 =	vld [tilespmem:s30+$0x2020];
	v14 =	vmul.f32 v15, v4;
	v8 =	vadd.f32 v5, v8  }
0x1a9: {  	v5 =	vmul.f32 v12, v4;
	v12 =	vld [tilespmem:s30+$0x30];
	[tilespmem:s28+$0x60] =	vst v6  }
0x1aa: {  	v6 =	vmul.f32 v13, v3;
	v13 =	vld [tilespmem:s30+$0x2030];
	v9 =	vadd.f32 v14, v9;
	[tilespmem:s28+$0x0] =	vst v8;
	s28 =	smov.u32 s30  }
0x1ab: {  	v8 =	vmul.f32 v10, v4;
	v10 =	vld [tilespmem:s30+$0x40]  }
0x1ac: {  	v11 =	vmul.f32 v11, v3;
	v14 =	vld [tilespmem:s30+$0x2040];
	[tilespmem:s30+$0x70] =	vst v9  }
.Ltmp6:
0x1ad: {  	v8 =	vadd.f32 v8, v6;
	v9 =	vmul.f32 v7, v4;
	v7 =	vld [tilespmem:s30+$0x50];
	(pc) =	sbr.rel @p1 .LBB2_16-.Ltmp6, $4  }
0x1ae: {  	v12 =	vmul.f32 v12, v3;
	v6 =	vld [tilespmem:s30+$0x2050]  }
0x1af: {  	[tilespmem:s30+$0x10] =	vst v8;
	v15 =	vadd.f32 v9, v11;
	v13 =	vmul.f32 v13, v4;
	v9 =	vld [tilespmem:s30+$0x60]  }
0x1b0: {  	v11 =	vmul.f32 v10, v3;
	v10 =	vld [tilespmem:s30+$0x2060]  }
0x1b1: {  	s30 =	sadd.s32 $0x400, s30;
	v8 =	vld [tilespmem:s28+$0x0];
	[tilespmem:s28+$0x20] =	vst v15;
	v12 =	vadd.f32 v13, v12;
	v13 =	vmul.f32 v14, v4  }
0x1b2: {  	_ =	sdelay $0x1  }
0x1b3: {  	v7 =	vmul.f32 v7, v3;
	s25 =	sadd.s32 $0x1, s25;
	v6 =	vmul.f32 v6, v4  }
0x1b4: {  	v11 =	vadd.f32 v13, v11;
	p1 =	sne.s32 s25, $0x8;
	v9 =	vmul.f32 v9, v3;
	v63 =	vmul.f32 v10, v4  }
.Ltmp7:
0x1b5: {  	[tilespmem:s28+$0x30] =	vst v12;
	v6 =	vadd.f32 v6, v7;
	v3 =	vmul.f32 v8, v3;
	(pc) =	sbr.rel @p1 .LBB2_15-.Ltmp7, $4  }
0x1b6: {  	[tilespmem:s28+$0x40] =	vst v11;
	v4 =	vadd.f32 v63, v9  }
0x1b7: {  	[tilespmem:s28+$0x50] =	vst v6;
	v3 =	vadd.f32 v5, v3  }
0x1b8: {  	[tilespmem:s28+$0x60] =	vst v4  }
0x1b9: {  	s26 =	sadd.s32 $0x80, s26;
	[tilespmem:s28+$0x0] =	vst v3  }
0x1ba: {  	s23 =	sshll.u32 s23, $0xA  }
0x1bb: {  	s23 =	sadd.s32 s23, s7  }
0x1bc: {  	[hbm4b:s23+s3] =	stream.linear.scatter [tilespmem:s0], [sflag:$0xB], $0x2000, $0x38;
	[tilespmem:$0x1D000] =	vst v63  }
0x1bd: {  	s23 =	simm.s32 @p0 $0xB  }
0x1be: {  	_ =	swait.ge @p0 [sflag:s23], $0x2000  }
0x1bf: {  	[sflag:s23] =	ssyncset.done @p0 $0x0  }
0x1c0: {  	[sflag:s23] =	ssyncadd.s32 @p0 $0xFFFFE000  }
0x1c1: {  	v3 =	vld @p0 [tilespmem:$0x500];
	_ =	sdelay $0x4  }
0x1c2: {  	v4 =	vshll.u32 @p0 v3, $0x3  }
0x1c3: {  	v5 =	vlaneseq.u32 @p0;
	v3 =	vand.u32 @p0 $0x7, v3;
	v4 =	vand.u32 @p0 $0xFFFFFFC0, v4  }
0x1c4: {  	v6 =	vshrl.u32 @p0 v5, $0x3;
	v3 =	vor.u32 @p0 v3, v4;
	v4 =	vand.u32 @p0 $0x7, v5  }
0x1c5: {  	v6 =	vmul.u32 @p0 $0x8, v6;
	v4 =	vperm.xlane @p0 v3, v4;
	_ =	sdelay $0x1  }
0x1c6: {  	v4 =	vadd.s32 @p0 v6, v4;
	_ =	sdelay $0x3  }
0x1c7: {  	s24 =	simm.s32 @p0 $0xD000;
	s23 =	simm.s32 @p0 $0x0  }
0x1c8: {  	v5 =	vor.u32 @p0 $0x8, v5;
	[tilespmem:s24], [sflag:$0x4] =	stream.indirect_vreg.gather @p0 [hbm4b:s1+s23], $0x80, v4, vm1, $0xb8;
	[tilespmem:$0x1D000] =	vst v63  }
0x1c9: {  	v3 =	vperm.xlane @p0 v3, v5;
	s24 =	simm.s32 @p0 $0xD800  }
0x1ca: {  	[tilespmem:s24], [sflag:$0x4] =	stream.indirect_vreg.gather @p0 [hbm4b:s5+s23], $0x80, v4, vm1, $0xb8;
	[tilespmem:$0x1D000] =	vst v63  }
0x1cb: {  	v3 =	vadd.s32 @p0 v6, v3;
	s24 =	simm.s32 @p0 $0xE000  }
0x1cc: {  	[tilespmem:s24], [sflag:$0x4] =	stream.indirect_vreg.gather @p0 [hbm4b:s6+s23], $0x80, v4, vm1, $0xb8;
	[tilespmem:$0x1D000] =	vst v63  }
0x1cd: {  	s24 =	simm.s32 @p0 $0xE800  }
0x1ce: {  	[tilespmem:s24], [sflag:$0x4] =	stream.indirect_vreg.gather @p0 [hbm4b:s8+s23], $0x80, v4, vm1, $0xb8;
	[tilespmem:$0x1D000] =	vst v63  }
0x1cf: {  	s24 =	simm.s32 @p0 $0xF000  }
0x1d0: {  	[tilespmem:s24], [sflag:$0x4] =	stream.indirect_vreg.gather @p0 [hbm4b:s1+s23], $0x80, v3, vm1, $0xb8;
	[tilespmem:$0x1D000] =	vst v63  }
0x1d1: {  	s24 =	simm.s32 @p0 $0xF800  }
0x1d2: {  	[tilespmem:s24], [sflag:$0x4] =	stream.indirect_vreg.gather @p0 [hbm4b:s5+s23], $0x80, v3, vm1, $0xb8;
	[tilespmem:$0x1D000] =	vst v63  }
0x1d3: {  	s24 =	simm.s32 @p0 $0x10000  }
0x1d4: {  	[tilespmem:s24], [sflag:$0x4] =	stream.indirect_vreg.gather @p0 [hbm4b:s6+s23], $0x80, v3, vm1, $0xb8;
	[tilespmem:$0x1D000] =	vst v63  }
0x1d5: {  	s24 =	simm.s32 @p0 $0x10800  }
0x1d6: {  	[tilespmem:s24], [sflag:$0x4] =	stream.indirect_vreg.gather @p0 [hbm4b:s8+s23], $0x80, v3, vm1, $0xb8;
	[tilespmem:$0x1D000] =	vst v63  }
0x1d7: {  	s23 =	sadd.s32 $0x4, s21  }
0x1d8: {  	_ =	swait.ge [sflag:s17], $0x4000;
	s31 =	sshll.u32 s23, $0x7  }
0x1d9: {  	s25 =	simm.s32 $0x0;
	[sflag:s17] =	ssyncset.done $0x0;
	s24 =	sand.u32 $0x3FFFFF80, s31  }
0x1da: {  	s26 =	simm.s32 $0x11000;
	[sflag:s17] =	ssyncadd.s32 $0xFFFFC000;
	s24 =	sadd.s32 $0x800, s24  }
.LBB2_19:
0x1db: {  	v5 =	vld [tilespmem:s26+$0x70]  }
0x1dc: {  	v6 =	vld [tilespmem:s26+$0x2070]  }
0x1dd: {  	v8 =	vld [tilespmem:s26+$0x2000]  }
0x1de: {  	v7 =	vld [tilespmem:s26+$0x10]  }
0x1df: {  	s28 =	sadd.s32 s25, s24;
	v9 =	vld [tilespmem:s26+$0x2010]  }
0x1e0: {  	v3 =	vld.msk [tilespmem:s28+$0x0 ss:$0x0], $0xffff  }
0x1e1: {  	v4 =	vld.msk [tilespmem:s28+$0x8 ss:$0x0], $0xffff  }
0x1e2: {  	v10 =	vld [tilespmem:s26+$0x20]  }
0x1e3: {  	v11 =	vld [tilespmem:s26+$0x2020]  }
0x1e4: {  	v12 =	vld [tilespmem:s26+$0x30]  }
0x1e5: {  	v13 =	vld [tilespmem:s26+$0x2030]  }
0x1e6: {  	v14 =	vld [tilespmem:s26+$0x40];
	v5 =	vmul.f32 v5, v3;
	v6 =	vmul.f32 v6, v4  }
0x1e7: {  	v16 =	vld [tilespmem:s26+$0x2040];
	v15 =	vmul.f32 v7, v3;
	v9 =	vmul.f32 v9, v4  }
0x1e8: {  	v10 =	vmul.f32 v10, v3;
	v11 =	vmul.f32 v11, v4;
	v7 =	vld [tilespmem:s26+$0x50];
	v5 =	vadd.f32 v6, v5  }
0x1e9: {  	v15 =	vadd.f32 v9, v15;
	v6 =	vld [tilespmem:s26+$0x2050]  }
0x1ea: {  	v12 =	vmul.f32 v12, v3;
	v13 =	vmul.f32 v13, v4;
	v17 =	vadd.f32 v11, v10;
	v9 =	vld [tilespmem:s26+$0x60];
	[tilespmem:s26+$0x70] =	vst v5  }
0x1eb: {  	v10 =	vld [tilespmem:s26+$0x2060];
	v11 =	vmul.f32 v14, v3;
	[tilespmem:s26+$0x10] =	vst v15  }
0x1ec: {  	s29 =	simm.s32 $0x0;
	s30 =	sadd.s32 $0x400, s26;
	s28 =	smov.u32 s26;
	v12 =	vadd.f32 v13, v12;
	v13 =	vmul.f32 v16, v4;
	v5 =	vmul.f32 v8, v4;
	v8 =	vld [tilespmem:s26+$0x0];
	[tilespmem:s26+$0x20] =	vst v17  }
.LBB2_20:
0x1ed: {  	v14 =	vld [tilespmem:s30+$0x70];
	v7 =	vmul.f32 v7, v3  }
0x1ee: {  	s29 =	sadd.s32 $0x8, s29;
	v15 =	vld [tilespmem:s30+$0x2070];
	[tilespmem:s28+$0x30] =	vst v12;
	v11 =	vadd.f32 v13, v11;
	v6 =	vmul.f32 v6, v4  }
0x1ef: {  	p1 =	slt.u32 s29, $0x38;
	v12 =	vld [tilespmem:s30+$0x2000];
	v9 =	vmul.f32 v9, v3  }
0x1f0: {  	v13 =	vld [tilespmem:s30+$0x10];
	[tilespmem:s28+$0x40] =	vst v11;
	v6 =	vadd.f32 v6, v7;
	v7 =	vmul.f32 v10, v4  }
0x1f1: {  	v10 =	vld [tilespmem:s30+$0x2010];
	v8 =	vmul.f32 v8, v3  }
0x1f2: {  	v11 =	vld [tilespmem:s30+$0x20];
	[tilespmem:s28+$0x50] =	vst v6;
	v6 =	vadd.f32 v7, v9  }
0x1f3: {  	v9 =	vmul.f32 v14, v3;
	v7 =	vld [tilespmem:s30+$0x2020];
	v14 =	vmul.f32 v15, v4;
	v8 =	vadd.f32 v5, v8  }
0x1f4: {  	v5 =	vmul.f32 v12, v4;
	v12 =	vld [tilespmem:s30+$0x30];
	[tilespmem:s28+$0x60] =	vst v6  }
0x1f5: {  	v6 =	vmul.f32 v13, v3;
	v13 =	vld [tilespmem:s30+$0x2030];
	v9 =	vadd.f32 v14, v9;
	[tilespmem:s28+$0x0] =	vst v8;
	s28 =	smov.u32 s30  }
0x1f6: {  	v8 =	vmul.f32 v10, v4;
	v10 =	vld [tilespmem:s30+$0x40]  }
0x1f7: {  	v11 =	vmul.f32 v11, v3;
	v14 =	vld [tilespmem:s30+$0x2040];
	[tilespmem:s30+$0x70] =	vst v9  }
.Ltmp8:
0x1f8: {  	v8 =	vadd.f32 v8, v6;
	v9 =	vmul.f32 v7, v4;
	v7 =	vld [tilespmem:s30+$0x50];
	(pc) =	sbr.rel @p1 .LBB2_20-.Ltmp8, $4  }
0x1f9: {  	v12 =	vmul.f32 v12, v3;
	v6 =	vld [tilespmem:s30+$0x2050]  }
0x1fa: {  	[tilespmem:s30+$0x10] =	vst v8;
	v15 =	vadd.f32 v9, v11;
	v13 =	vmul.f32 v13, v4;
	v9 =	vld [tilespmem:s30+$0x60]  }
0x1fb: {  	v11 =	vmul.f32 v10, v3;
	v10 =	vld [tilespmem:s30+$0x2060]  }
0x1fc: {  	s30 =	sadd.s32 $0x400, s30;
	v8 =	vld [tilespmem:s28+$0x0];
	[tilespmem:s28+$0x20] =	vst v15;
	v12 =	vadd.f32 v13, v12;
	v13 =	vmul.f32 v14, v4  }
0x1fd: {  	_ =	sdelay $0x1  }
0x1fe: {  	v7 =	vmul.f32 v7, v3;
	s25 =	sadd.s32 $0x1, s25;
	v6 =	vmul.f32 v6, v4  }
0x1ff: {  	v11 =	vadd.f32 v13, v11;
	p1 =	sne.s32 s25, $0x8;
	v9 =	vmul.f32 v9, v3;
	v63 =	vmul.f32 v10, v4  }
.Ltmp9:
0x200: {  	[tilespmem:s28+$0x30] =	vst v12;
	v6 =	vadd.f32 v6, v7;
	v3 =	vmul.f32 v8, v3;
	(pc) =	sbr.rel @p1 .LBB2_19-.Ltmp9, $4  }
0x201: {  	[tilespmem:s28+$0x40] =	vst v11;
	v4 =	vadd.f32 v63, v9  }
0x202: {  	[tilespmem:s28+$0x50] =	vst v6;
	v3 =	vadd.f32 v5, v3  }
0x203: {  	[tilespmem:s28+$0x60] =	vst v4  }
0x204: {  	s26 =	sadd.s32 $0x80, s26;
	[tilespmem:s28+$0x0] =	vst v3  }
0x205: {  	s23 =	sshll.u32 s23, $0xA  }
0x206: {  	s23 =	sadd.s32 s23, s7  }
0x207: {  	[hbm4b:s23+s3] =	stream.linear.scatter [tilespmem:s2], [sflag:$0xC], $0x2000, $0x38;
	[tilespmem:$0x1D000] =	vst v63  }
0x208: {  	s23 =	simm.s32 @p0 $0xC  }
0x209: {  	_ =	swait.ge @p0 [sflag:s23], $0x2000  }
0x20a: {  	[sflag:s23] =	ssyncset.done @p0 $0x0  }
0x20b: {  	[sflag:s23] =	ssyncadd.s32 @p0 $0xFFFFE000  }
0x20c: {  	v3 =	vld @p0 [tilespmem:$0x580];
	_ =	sdelay $0x4  }
0x20d: {  	v4 =	vshll.u32 @p0 v3, $0x3  }
0x20e: {  	v5 =	vlaneseq.u32 @p0;
	v3 =	vand.u32 @p0 $0x7, v3;
	v4 =	vand.u32 @p0 $0xFFFFFFC0, v4  }
0x20f: {  	v6 =	vshrl.u32 @p0 v5, $0x3;
	v3 =	vor.u32 @p0 v3, v4;
	v4 =	vand.u32 @p0 $0x7, v5  }
0x210: {  	v6 =	vmul.u32 @p0 $0x8, v6;
	v4 =	vperm.xlane @p0 v3, v4;
	_ =	sdelay $0x1  }
0x211: {  	v4 =	vadd.s32 @p0 v6, v4;
	_ =	sdelay $0x3  }
0x212: {  	s24 =	simm.s32 @p0 $0x11000;
	s23 =	simm.s32 @p0 $0x0  }
0x213: {  	v5 =	vor.u32 @p0 $0x8, v5;
	[tilespmem:s24], [sflag:$0x5] =	stream.indirect_vreg.gather @p0 [hbm4b:s1+s23], $0x80, v4, vm1, $0xb8;
	[tilespmem:$0x1D000] =	vst v63  }
0x214: {  	v3 =	vperm.xlane @p0 v3, v5;
	s24 =	simm.s32 @p0 $0x11800  }
0x215: {  	[tilespmem:s24], [sflag:$0x5] =	stream.indirect_vreg.gather @p0 [hbm4b:s5+s23], $0x80, v4, vm1, $0xb8;
	[tilespmem:$0x1D000] =	vst v63  }
0x216: {  	v3 =	vadd.s32 @p0 v6, v3;
	s24 =	simm.s32 @p0 $0x12000  }
0x217: {  	[tilespmem:s24], [sflag:$0x5] =	stream.indirect_vreg.gather @p0 [hbm4b:s6+s23], $0x80, v4, vm1, $0xb8;
	[tilespmem:$0x1D000] =	vst v63  }
0x218: {  	s24 =	simm.s32 @p0 $0x12800  }
0x219: {  	[tilespmem:s24], [sflag:$0x5] =	stream.indirect_vreg.gather @p0 [hbm4b:s8+s23], $0x80, v4, vm1, $0xb8;
	[tilespmem:$0x1D000] =	vst v63  }
0x21a: {  	s24 =	simm.s32 @p0 $0x13000  }
0x21b: {  	[tilespmem:s24], [sflag:$0x5] =	stream.indirect_vreg.gather @p0 [hbm4b:s1+s23], $0x80, v3, vm1, $0xb8;
	[tilespmem:$0x1D000] =	vst v63  }
0x21c: {  	s24 =	simm.s32 @p0 $0x13800  }
0x21d: {  	[tilespmem:s24], [sflag:$0x5] =	stream.indirect_vreg.gather @p0 [hbm4b:s5+s23], $0x80, v3, vm1, $0xb8;
	[tilespmem:$0x1D000] =	vst v63  }
0x21e: {  	s24 =	simm.s32 @p0 $0x14000  }
0x21f: {  	[tilespmem:s24], [sflag:$0x5] =	stream.indirect_vreg.gather @p0 [hbm4b:s6+s23], $0x80, v3, vm1, $0xb8;
	[tilespmem:$0x1D000] =	vst v63  }
0x220: {  	s24 =	simm.s32 @p0 $0x14800  }
0x221: {  	[tilespmem:s24], [sflag:$0x5] =	stream.indirect_vreg.gather @p0 [hbm4b:s8+s23], $0x80, v3, vm1, $0xb8;
	[tilespmem:$0x1D000] =	vst v63  }
0x222: {  	s23 =	sadd.s32 $0x5, s21  }
0x223: {  	_ =	swait.ge [sflag:s18], $0x4000;
	s31 =	sshll.u32 s23, $0x7  }
0x224: {  	s25 =	simm.s32 $0x0;
	[sflag:s18] =	ssyncset.done $0x0;
	s24 =	sand.u32 $0x3FFFFF80, s31  }
0x225: {  	s26 =	simm.s32 $0x15000;
	[sflag:s18] =	ssyncadd.s32 $0xFFFFC000;
	s24 =	sadd.s32 $0x800, s24  }
.LBB2_23:
0x226: {  	v5 =	vld [tilespmem:s26+$0x70]  }
0x227: {  	v6 =	vld [tilespmem:s26+$0x2070]  }
0x228: {  	v8 =	vld [tilespmem:s26+$0x2000]  }
0x229: {  	v7 =	vld [tilespmem:s26+$0x10]  }
0x22a: {  	s28 =	sadd.s32 s25, s24;
	v9 =	vld [tilespmem:s26+$0x2010]  }
0x22b: {  	v3 =	vld.msk [tilespmem:s28+$0x0 ss:$0x0], $0xffff  }
0x22c: {  	v4 =	vld.msk [tilespmem:s28+$0x8 ss:$0x0], $0xffff  }
0x22d: {  	v10 =	vld [tilespmem:s26+$0x20]  }
0x22e: {  	v11 =	vld [tilespmem:s26+$0x2020]  }
0x22f: {  	v12 =	vld [tilespmem:s26+$0x30]  }
0x230: {  	v13 =	vld [tilespmem:s26+$0x2030]  }
0x231: {  	v14 =	vld [tilespmem:s26+$0x40];
	v5 =	vmul.f32 v5, v3;
	v6 =	vmul.f32 v6, v4  }
0x232: {  	v16 =	vld [tilespmem:s26+$0x2040];
	v15 =	vmul.f32 v7, v3;
	v9 =	vmul.f32 v9, v4  }
0x233: {  	v10 =	vmul.f32 v10, v3;
	v11 =	vmul.f32 v11, v4;
	v7 =	vld [tilespmem:s26+$0x50];
	v5 =	vadd.f32 v6, v5  }
0x234: {  	v15 =	vadd.f32 v9, v15;
	v6 =	vld [tilespmem:s26+$0x2050]  }
0x235: {  	v12 =	vmul.f32 v12, v3;
	v13 =	vmul.f32 v13, v4;
	v17 =	vadd.f32 v11, v10;
	v9 =	vld [tilespmem:s26+$0x60];
	[tilespmem:s26+$0x70] =	vst v5  }
0x236: {  	v10 =	vld [tilespmem:s26+$0x2060];
	v11 =	vmul.f32 v14, v3;
	[tilespmem:s26+$0x10] =	vst v15  }
0x237: {  	s29 =	simm.s32 $0x0;
	s30 =	sadd.s32 $0x400, s26;
	s28 =	smov.u32 s26;
	v12 =	vadd.f32 v13, v12;
	v13 =	vmul.f32 v16, v4;
	v5 =	vmul.f32 v8, v4;
	v8 =	vld [tilespmem:s26+$0x0];
	[tilespmem:s26+$0x20] =	vst v17  }
.LBB2_24:
0x238: {  	v14 =	vld [tilespmem:s30+$0x70];
	v7 =	vmul.f32 v7, v3  }
0x239: {  	s29 =	sadd.s32 $0x8, s29;
	v15 =	vld [tilespmem:s30+$0x2070];
	[tilespmem:s28+$0x30] =	vst v12;
	v11 =	vadd.f32 v13, v11;
	v6 =	vmul.f32 v6, v4  }
0x23a: {  	p1 =	slt.u32 s29, $0x38;
	v12 =	vld [tilespmem:s30+$0x2000];
	v9 =	vmul.f32 v9, v3  }
0x23b: {  	v13 =	vld [tilespmem:s30+$0x10];
	[tilespmem:s28+$0x40] =	vst v11;
	v6 =	vadd.f32 v6, v7;
	v7 =	vmul.f32 v10, v4  }
0x23c: {  	v10 =	vld [tilespmem:s30+$0x2010];
	v8 =	vmul.f32 v8, v3  }
0x23d: {  	v11 =	vld [tilespmem:s30+$0x20];
	[tilespmem:s28+$0x50] =	vst v6;
	v6 =	vadd.f32 v7, v9  }
0x23e: {  	v9 =	vmul.f32 v14, v3;
	v7 =	vld [tilespmem:s30+$0x2020];
	v14 =	vmul.f32 v15, v4;
	v8 =	vadd.f32 v5, v8  }
0x23f: {  	v5 =	vmul.f32 v12, v4;
	v12 =	vld [tilespmem:s30+$0x30];
	[tilespmem:s28+$0x60] =	vst v6  }
0x240: {  	v6 =	vmul.f32 v13, v3;
	v13 =	vld [tilespmem:s30+$0x2030];
	v9 =	vadd.f32 v14, v9;
	[tilespmem:s28+$0x0] =	vst v8;
	s28 =	smov.u32 s30  }
0x241: {  	v8 =	vmul.f32 v10, v4;
	v10 =	vld [tilespmem:s30+$0x40]  }
0x242: {  	v11 =	vmul.f32 v11, v3;
	v14 =	vld [tilespmem:s30+$0x2040];
	[tilespmem:s30+$0x70] =	vst v9  }
.Ltmp10:
0x243: {  	v8 =	vadd.f32 v8, v6;
	v9 =	vmul.f32 v7, v4;
	v7 =	vld [tilespmem:s30+$0x50];
	(pc) =	sbr.rel @p1 .LBB2_24-.Ltmp10, $4  }
0x244: {  	v12 =	vmul.f32 v12, v3;
	v6 =	vld [tilespmem:s30+$0x2050]  }
0x245: {  	[tilespmem:s30+$0x10] =	vst v8;
	v15 =	vadd.f32 v9, v11;
	v13 =	vmul.f32 v13, v4;
	v9 =	vld [tilespmem:s30+$0x60]  }
0x246: {  	v11 =	vmul.f32 v10, v3;
	v10 =	vld [tilespmem:s30+$0x2060]  }
0x247: {  	s30 =	sadd.s32 $0x400, s30;
	v8 =	vld [tilespmem:s28+$0x0];
	[tilespmem:s28+$0x20] =	vst v15;
	v12 =	vadd.f32 v13, v12;
	v13 =	vmul.f32 v14, v4  }
0x248: {  	_ =	sdelay $0x1  }
0x249: {  	v7 =	vmul.f32 v7, v3;
	s25 =	sadd.s32 $0x1, s25;
	v6 =	vmul.f32 v6, v4  }
0x24a: {  	v11 =	vadd.f32 v13, v11;
	p1 =	sne.s32 s25, $0x8;
	v9 =	vmul.f32 v9, v3;
	v63 =	vmul.f32 v10, v4  }
.Ltmp11:
0x24b: {  	[tilespmem:s28+$0x30] =	vst v12;
	v6 =	vadd.f32 v6, v7;
	v3 =	vmul.f32 v8, v3;
	(pc) =	sbr.rel @p1 .LBB2_23-.Ltmp11, $4  }
0x24c: {  	[tilespmem:s28+$0x40] =	vst v11;
	v4 =	vadd.f32 v63, v9  }
0x24d: {  	[tilespmem:s28+$0x50] =	vst v6;
	v3 =	vadd.f32 v5, v3  }
0x24e: {  	[tilespmem:s28+$0x60] =	vst v4  }
0x24f: {  	s26 =	sadd.s32 $0x80, s26;
	[tilespmem:s28+$0x0] =	vst v3  }
0x250: {  	s23 =	sshll.u32 s23, $0xA  }
0x251: {  	s23 =	sadd.s32 s23, s7  }
0x252: {  	[hbm4b:s23+s3] =	stream.linear.scatter [tilespmem:s4], [sflag:$0xD], $0x2000, $0x38;
	[tilespmem:$0x1D000] =	vst v63  }
0x253: {  	s23 =	simm.s32 @p0 $0xD  }
0x254: {  	_ =	swait.ge @p0 [sflag:s23], $0x2000  }
0x255: {  	[sflag:s23] =	ssyncset.done @p0 $0x0  }
0x256: {  	[sflag:s23] =	ssyncadd.s32 @p0 $0xFFFFE000  }
0x257: {  	v3 =	vld @p0 [tilespmem:$0x600];
	_ =	sdelay $0x4  }
0x258: {  	v4 =	vshll.u32 @p0 v3, $0x3  }
0x259: {  	v5 =	vlaneseq.u32 @p0;
	v3 =	vand.u32 @p0 $0x7, v3;
	v4 =	vand.u32 @p0 $0xFFFFFFC0, v4  }
0x25a: {  	v6 =	vshrl.u32 @p0 v5, $0x3;
	v3 =	vor.u32 @p0 v3, v4;
	v4 =	vand.u32 @p0 $0x7, v5  }
0x25b: {  	v6 =	vmul.u32 @p0 $0x8, v6;
	v4 =	vperm.xlane @p0 v3, v4;
	_ =	sdelay $0x1  }
0x25c: {  	v4 =	vadd.s32 @p0 v6, v4;
	_ =	sdelay $0x3  }
0x25d: {  	s24 =	simm.s32 @p0 $0x15000;
	s23 =	simm.s32 @p0 $0x0  }
0x25e: {  	v5 =	vor.u32 @p0 $0x8, v5;
	[tilespmem:s24], [sflag:$0x6] =	stream.indirect_vreg.gather @p0 [hbm4b:s1+s23], $0x80, v4, vm1, $0xb8;
	[tilespmem:$0x1D000] =	vst v63  }
0x25f: {  	v3 =	vperm.xlane @p0 v3, v5;
	s24 =	simm.s32 @p0 $0x15800  }
0x260: {  	[tilespmem:s24], [sflag:$0x6] =	stream.indirect_vreg.gather @p0 [hbm4b:s5+s23], $0x80, v4, vm1, $0xb8;
	[tilespmem:$0x1D000] =	vst v63  }
0x261: {  	v3 =	vadd.s32 @p0 v6, v3;
	s24 =	simm.s32 @p0 $0x16000  }
0x262: {  	[tilespmem:s24], [sflag:$0x6] =	stream.indirect_vreg.gather @p0 [hbm4b:s6+s23], $0x80, v4, vm1, $0xb8;
	[tilespmem:$0x1D000] =	vst v63  }
0x263: {  	s24 =	simm.s32 @p0 $0x16800  }
0x264: {  	[tilespmem:s24], [sflag:$0x6] =	stream.indirect_vreg.gather @p0 [hbm4b:s8+s23], $0x80, v4, vm1, $0xb8;
	[tilespmem:$0x1D000] =	vst v63  }
0x265: {  	s24 =	simm.s32 @p0 $0x17000  }
0x266: {  	[tilespmem:s24], [sflag:$0x6] =	stream.indirect_vreg.gather @p0 [hbm4b:s1+s23], $0x80, v3, vm1, $0xb8;
	[tilespmem:$0x1D000] =	vst v63  }
0x267: {  	s24 =	simm.s32 @p0 $0x17800  }
0x268: {  	[tilespmem:s24], [sflag:$0x6] =	stream.indirect_vreg.gather @p0 [hbm4b:s5+s23], $0x80, v3, vm1, $0xb8;
	[tilespmem:$0x1D000] =	vst v63  }
0x269: {  	s24 =	simm.s32 @p0 $0x18000  }
0x26a: {  	[tilespmem:s24], [sflag:$0x6] =	stream.indirect_vreg.gather @p0 [hbm4b:s6+s23], $0x80, v3, vm1, $0xb8;
	[tilespmem:$0x1D000] =	vst v63  }
0x26b: {  	s21 =	sadd.s32 $0x6, s21;
	s24 =	simm.s32 @p0 $0x18800  }
0x26c: {  	[tilespmem:s24], [sflag:$0x6] =	stream.indirect_vreg.gather @p0 [hbm4b:s8+s23], $0x80, v3, vm1, $0xb8;
	[tilespmem:$0x1D000] =	vst v63  }
0x26d: {  	s31 =	sshll.u32 s21, $0x7;
	_ =	swait.ge [sflag:s19], $0x4000  }
0x26e: {  	s25 =	simm.s32 $0x19000;
	s23 =	sand.u32 $0x3FFFFF80, s31;
	[sflag:s19] =	ssyncset.done $0x0  }
0x26f: {  	s24 =	simm.s32 $0x0;
	s23 =	sadd.s32 $0x800, s23;
	[sflag:s19] =	ssyncadd.s32 $0xFFFFC000  }
.LBB2_27:
0x270: {  	v5 =	vld [tilespmem:s25+$0x70]  }
0x271: {  	v6 =	vld [tilespmem:s25+$0x2070]  }
0x272: {  	v8 =	vld [tilespmem:s25+$0x2000]  }
0x273: {  	v7 =	vld [tilespmem:s25+$0x10]  }
0x274: {  	s26 =	sadd.s32 s24, s23;
	v9 =	vld [tilespmem:s25+$0x2010]  }
0x275: {  	v3 =	vld.msk [tilespmem:s26+$0x0 ss:$0x0], $0xffff  }
0x276: {  	v4 =	vld.msk [tilespmem:s26+$0x8 ss:$0x0], $0xffff  }
0x277: {  	v10 =	vld [tilespmem:s25+$0x20]  }
0x278: {  	v11 =	vld [tilespmem:s25+$0x2020]  }
0x279: {  	v12 =	vld [tilespmem:s25+$0x30]  }
0x27a: {  	v13 =	vld [tilespmem:s25+$0x2030]  }
0x27b: {  	v14 =	vld [tilespmem:s25+$0x40];
	v5 =	vmul.f32 v5, v3;
	v6 =	vmul.f32 v6, v4  }
0x27c: {  	v16 =	vld [tilespmem:s25+$0x2040];
	v15 =	vmul.f32 v7, v3;
	v9 =	vmul.f32 v9, v4  }
0x27d: {  	v10 =	vmul.f32 v10, v3;
	v11 =	vmul.f32 v11, v4;
	v7 =	vld [tilespmem:s25+$0x50];
	v5 =	vadd.f32 v6, v5  }
0x27e: {  	v15 =	vadd.f32 v9, v15;
	v6 =	vld [tilespmem:s25+$0x2050]  }
0x27f: {  	v12 =	vmul.f32 v12, v3;
	v13 =	vmul.f32 v13, v4;
	v17 =	vadd.f32 v11, v10;
	v9 =	vld [tilespmem:s25+$0x60];
	[tilespmem:s25+$0x70] =	vst v5  }
0x280: {  	v10 =	vld [tilespmem:s25+$0x2060];
	v11 =	vmul.f32 v14, v3;
	[tilespmem:s25+$0x10] =	vst v15  }
0x281: {  	s28 =	simm.s32 $0x0;
	s29 =	sadd.s32 $0x400, s25;
	s26 =	smov.u32 s25;
	v12 =	vadd.f32 v13, v12;
	v13 =	vmul.f32 v16, v4;
	v5 =	vmul.f32 v8, v4;
	v8 =	vld [tilespmem:s25+$0x0];
	[tilespmem:s25+$0x20] =	vst v17  }
.LBB2_28:
0x282: {  	v14 =	vld [tilespmem:s29+$0x70];
	v7 =	vmul.f32 v7, v3  }
0x283: {  	s28 =	sadd.s32 $0x8, s28;
	v15 =	vld [tilespmem:s29+$0x2070];
	[tilespmem:s26+$0x30] =	vst v12;
	v11 =	vadd.f32 v13, v11;
	v6 =	vmul.f32 v6, v4  }
0x284: {  	p1 =	slt.u32 s28, $0x38;
	v12 =	vld [tilespmem:s29+$0x2000];
	v9 =	vmul.f32 v9, v3  }
0x285: {  	v13 =	vld [tilespmem:s29+$0x10];
	[tilespmem:s26+$0x40] =	vst v11;
	v6 =	vadd.f32 v6, v7;
	v7 =	vmul.f32 v10, v4  }
0x286: {  	v10 =	vld [tilespmem:s29+$0x2010];
	v8 =	vmul.f32 v8, v3  }
0x287: {  	v11 =	vld [tilespmem:s29+$0x20];
	[tilespmem:s26+$0x50] =	vst v6;
	v6 =	vadd.f32 v7, v9  }
0x288: {  	v9 =	vmul.f32 v14, v3;
	v7 =	vld [tilespmem:s29+$0x2020];
	v14 =	vmul.f32 v15, v4;
	v8 =	vadd.f32 v5, v8  }
0x289: {  	v5 =	vmul.f32 v12, v4;
	v12 =	vld [tilespmem:s29+$0x30];
	[tilespmem:s26+$0x60] =	vst v6  }
0x28a: {  	v6 =	vmul.f32 v13, v3;
	v13 =	vld [tilespmem:s29+$0x2030];
	v9 =	vadd.f32 v14, v9;
	[tilespmem:s26+$0x0] =	vst v8;
	s26 =	smov.u32 s29  }
0x28b: {  	v8 =	vmul.f32 v10, v4;
	v10 =	vld [tilespmem:s29+$0x40]  }
0x28c: {  	v11 =	vmul.f32 v11, v3;
	v14 =	vld [tilespmem:s29+$0x2040];
	[tilespmem:s29+$0x70] =	vst v9  }
.Ltmp12:
0x28d: {  	v8 =	vadd.f32 v8, v6;
	v9 =	vmul.f32 v7, v4;
	v7 =	vld [tilespmem:s29+$0x50];
	(pc) =	sbr.rel @p1 .LBB2_28-.Ltmp12, $4  }
0x28e: {  	v12 =	vmul.f32 v12, v3;
	v6 =	vld [tilespmem:s29+$0x2050]  }
0x28f: {  	[tilespmem:s29+$0x10] =	vst v8;
	v15 =	vadd.f32 v9, v11;
	v13 =	vmul.f32 v13, v4;
	v9 =	vld [tilespmem:s29+$0x60]  }
0x290: {  	v11 =	vmul.f32 v10, v3;
	v10 =	vld [tilespmem:s29+$0x2060]  }
0x291: {  	s29 =	sadd.s32 $0x400, s29;
	v8 =	vld [tilespmem:s26+$0x0];
	[tilespmem:s26+$0x20] =	vst v15;
	v12 =	vadd.f32 v13, v12;
	v13 =	vmul.f32 v14, v4  }
0x292: {  	_ =	sdelay $0x1  }
0x293: {  	v7 =	vmul.f32 v7, v3;
	s24 =	sadd.s32 $0x1, s24;
	v6 =	vmul.f32 v6, v4  }
0x294: {  	v11 =	vadd.f32 v13, v11;
	p1 =	sne.s32 s24, $0x8;
	v9 =	vmul.f32 v9, v3;
	v63 =	vmul.f32 v10, v4  }
.Ltmp13:
0x295: {  	[tilespmem:s26+$0x30] =	vst v12;
	v6 =	vadd.f32 v6, v7;
	v3 =	vmul.f32 v8, v3;
	(pc) =	sbr.rel @p1 .LBB2_27-.Ltmp13, $4  }
0x296: {  	[tilespmem:s26+$0x40] =	vst v11;
	v4 =	vadd.f32 v63, v9  }
0x297: {  	[tilespmem:s26+$0x50] =	vst v6;
	v3 =	vadd.f32 v5, v3  }
0x298: {  	[tilespmem:s26+$0x60] =	vst v4  }
0x299: {  	s25 =	sadd.s32 $0x80, s25;
	[tilespmem:s26+$0x0] =	vst v3  }
.Ltmp14:
0x29a: {  	(pc) =	sbr.rel @!p0 .LBB2_32-.Ltmp14, $4  }
0x29b: {  	_ = 	snop  }
0x29c: {  	s21 =	sshll.u32 s21, $0xA  }
0x29d: {  	s21 =	sadd.s32 s21, s7  }
0x29e: {  	[hbm4b:s21+s3] =	stream.linear.scatter [tilespmem:s9], [sflag:$0xE], $0x2000, $0x38;
	[tilespmem:$0x1D000] =	vst v63  }
0x29f: {  	_ =	swait.ge [sflag:s20], $0x2000  }
0x2a0: {  	[sflag:s20] =	ssyncset.done $0x0  }
0x2a1: {  	[sflag:s20] =	ssyncadd.s32 $0xFFFFE000  }
0x2a2: {  	v3 =	vld [tilespmem:$0x680];
	_ =	sdelay $0x4  }
0x2a3: {  	v4 =	vshll.u32 v3, $0x3  }
0x2a4: {  	v3 =	vand.u32 $0x7, v3;
	v4 =	vand.u32 $0xFFFFFFC0, v4  }
0x2a5: {  	v3 =	vor.u32 v3, v4  }
0x2a6: {  	v4 =	vperm.xlane v3, v0;
	_ =	sdelay $0x1  }
0x2a7: {  	v4 =	vadd.s32 v1, v4;
	_ =	sdelay $0x4  }
0x2a8: {  	[tilespmem:s9], [sflag:$0x7] =	stream.indirect_vreg.gather [hbm4b:s1+s3], $0x80, v4, vm0, $0xb8;
	[tilespmem:$0x1D000] =	vst v63  }
0x2a9: {  	s21 =	simm.s32 $0x19800;
	v3 =	vperm.xlane v3, v2  }
0x2aa: {  	[tilespmem:s21], [sflag:$0x7] =	stream.indirect_vreg.gather [hbm4b:s5+s3], $0x80, v4, vm0, $0xb8;
	[tilespmem:$0x1D000] =	vst v63  }
0x2ab: {  	s25 =	simm.s32 $0x1A000;
	v3 =	vadd.s32 v1, v3  }
0x2ac: {  	[tilespmem:s25], [sflag:$0x7] =	stream.indirect_vreg.gather [hbm4b:s6+s3], $0x80, v4, vm0, $0xb8;
	[tilespmem:$0x1D000] =	vst v63  }
0x2ad: {  	s26 =	simm.s32 $0x1A800  }
0x2ae: {  	[tilespmem:s26], [sflag:$0x7] =	stream.indirect_vreg.gather [hbm4b:s8+s3], $0x80, v4, vm0, $0xb8;
	[tilespmem:$0x1D000] =	vst v63  }
0x2af: {  	s28 =	simm.s32 $0x1B000  }
0x2b0: {  	[tilespmem:s28], [sflag:$0x7] =	stream.indirect_vreg.gather [hbm4b:s1+s3], $0x80, v3, vm0, $0xb8;
	[tilespmem:$0x1D000] =	vst v63  }
0x2b1: {  	s29 =	simm.s32 $0x1B800  }
0x2b2: {  	[tilespmem:s29], [sflag:$0x7] =	stream.indirect_vreg.gather [hbm4b:s5+s3], $0x80, v3, vm0, $0xb8;
	[tilespmem:$0x1D000] =	vst v63  }
.Ltmp15:
0x2b3: {  	_ = 	snop;
	(pc) =	sbr.rel .LBB2_2-.Ltmp15, $4  }
0x2b4: {  	s30 =	simm.s32 $0x1C000  }
0x2b5: {  	[tilespmem:s30], [sflag:$0x7] =	stream.indirect_vreg.gather [hbm4b:s6+s3], $0x80, v3, vm0, $0xb8;
	[tilespmem:$0x1D000] =	vst v63  }
0x2b6: {  	s31 =	simm.s32 $0x1C800;
	p0 =	por $0x0, $0x0;
	s21 =	simm.s32 $0x1  }
0x2b7: {  	[tilespmem:s31], [sflag:$0x7] =	stream.indirect_vreg.gather [hbm4b:s8+s3], $0x80, v3, vm0, $0xb8;
	[tilespmem:$0x1D000] =	vst v63  }
.LBB2_32:
0x2b8: {  	_ =	swait.ge [sflag:s13], $0x4000  }
0x2b9: {  	[sflag:s13] =	ssyncset.done $0x0  }
0x2ba: {  	s21 =	simm.s32 $0x0;
	s23 =	simm.s32 $0x1000;
	[sflag:s13] =	ssyncadd.s32 $0xFFFFC000  }
.LBB2_33:
0x2bb: {  	v3 =	vld.msk [tilespmem:s21+$0xF00 ss:$0x0], $0xffff  }
0x2bc: {  	v4 =	vld.msk [tilespmem:s21+$0xF08 ss:$0x0], $0xffff  }
0x2bd: {  	v5 =	vld [tilespmem:s23+$0x70]  }
0x2be: {  	v6 =	vld [tilespmem:s23+$0x2070]  }
0x2bf: {  	v8 =	vld [tilespmem:s23+$0x2000]  }
0x2c0: {  	v7 =	vld [tilespmem:s23+$0x10]  }
0x2c1: {  	v9 =	vld [tilespmem:s23+$0x2010]  }
0x2c2: {  	v10 =	vld [tilespmem:s23+$0x20]  }
0x2c3: {  	v11 =	vld [tilespmem:s23+$0x2020]  }
0x2c4: {  	v12 =	vld [tilespmem:s23+$0x30]  }
0x2c5: {  	v13 =	vld [tilespmem:s23+$0x2030]  }
0x2c6: {  	v14 =	vld [tilespmem:s23+$0x40];
	v5 =	vmul.f32 v5, v3;
	v6 =	vmul.f32 v6, v4  }
0x2c7: {  	v16 =	vld [tilespmem:s23+$0x2040];
	v15 =	vmul.f32 v7, v3;
	v9 =	vmul.f32 v9, v4  }
0x2c8: {  	v10 =	vmul.f32 v10, v3;
	v11 =	vmul.f32 v11, v4;
	v7 =	vld [tilespmem:s23+$0x50];
	v5 =	vadd.f32 v6, v5  }
0x2c9: {  	v15 =	vadd.f32 v9, v15;
	v6 =	vld [tilespmem:s23+$0x2050]  }
0x2ca: {  	v12 =	vmul.f32 v12, v3;
	v13 =	vmul.f32 v13, v4;
	v17 =	vadd.f32 v11, v10;
	v9 =	vld [tilespmem:s23+$0x60];
	[tilespmem:s23+$0x70] =	vst v5  }
0x2cb: {  	v10 =	vld [tilespmem:s23+$0x2060];
	v11 =	vmul.f32 v14, v3;
	[tilespmem:s23+$0x10] =	vst v15  }
0x2cc: {  	s25 =	simm.s32 $0x0;
	s26 =	sadd.s32 $0x400, s23;
	s24 =	smov.u32 s23;
	v12 =	vadd.f32 v13, v12;
	v13 =	vmul.f32 v16, v4;
	v5 =	vmul.f32 v8, v4;
	v8 =	vld [tilespmem:s23+$0x0];
	[tilespmem:s23+$0x20] =	vst v17  }
.LBB2_34:
0x2cd: {  	v14 =	vld [tilespmem:s26+$0x70];
	v7 =	vmul.f32 v7, v3  }
0x2ce: {  	s25 =	sadd.s32 $0x8, s25;
	v15 =	vld [tilespmem:s26+$0x2070];
	[tilespmem:s24+$0x30] =	vst v12;
	v11 =	vadd.f32 v13, v11;
	v6 =	vmul.f32 v6, v4  }
0x2cf: {  	p0 =	slt.u32 s25, $0x38;
	v12 =	vld [tilespmem:s26+$0x2000];
	v9 =	vmul.f32 v9, v3  }
0x2d0: {  	v13 =	vld [tilespmem:s26+$0x10];
	[tilespmem:s24+$0x40] =	vst v11;
	v6 =	vadd.f32 v6, v7;
	v7 =	vmul.f32 v10, v4  }
0x2d1: {  	v10 =	vld [tilespmem:s26+$0x2010];
	v8 =	vmul.f32 v8, v3  }
0x2d2: {  	v11 =	vld [tilespmem:s26+$0x20];
	[tilespmem:s24+$0x50] =	vst v6;
	v6 =	vadd.f32 v7, v9  }
0x2d3: {  	v9 =	vmul.f32 v14, v3;
	v7 =	vld [tilespmem:s26+$0x2020];
	v14 =	vmul.f32 v15, v4;
	v8 =	vadd.f32 v5, v8  }
0x2d4: {  	v5 =	vmul.f32 v12, v4;
	v12 =	vld [tilespmem:s26+$0x30];
	[tilespmem:s24+$0x60] =	vst v6  }
0x2d5: {  	v6 =	vmul.f32 v13, v3;
	v13 =	vld [tilespmem:s26+$0x2030];
	v9 =	vadd.f32 v14, v9;
	[tilespmem:s24+$0x0] =	vst v8;
	s24 =	smov.u32 s26  }
0x2d6: {  	v8 =	vmul.f32 v10, v4;
	v10 =	vld [tilespmem:s26+$0x40]  }
0x2d7: {  	v11 =	vmul.f32 v11, v3;
	v14 =	vld [tilespmem:s26+$0x2040];
	[tilespmem:s26+$0x70] =	vst v9  }
.Ltmp16:
0x2d8: {  	v8 =	vadd.f32 v8, v6;
	v9 =	vmul.f32 v7, v4;
	v7 =	vld [tilespmem:s26+$0x50];
	(pc) =	sbr.rel @p0 .LBB2_34-.Ltmp16, $4  }
0x2d9: {  	v12 =	vmul.f32 v12, v3;
	v6 =	vld [tilespmem:s26+$0x2050]  }
0x2da: {  	[tilespmem:s26+$0x10] =	vst v8;
	v15 =	vadd.f32 v9, v11;
	v13 =	vmul.f32 v13, v4;
	v9 =	vld [tilespmem:s26+$0x60]  }
0x2db: {  	v11 =	vmul.f32 v10, v3;
	v10 =	vld [tilespmem:s26+$0x2060]  }
0x2dc: {  	s26 =	sadd.s32 $0x400, s26;
	v8 =	vld [tilespmem:s24+$0x0];
	[tilespmem:s24+$0x20] =	vst v15;
	v12 =	vadd.f32 v13, v12;
	v13 =	vmul.f32 v14, v4  }
0x2dd: {  	_ =	sdelay $0x1  }
0x2de: {  	v7 =	vmul.f32 v7, v3;
	s21 =	sadd.s32 $0x1, s21;
	v6 =	vmul.f32 v6, v4  }
0x2df: {  	v11 =	vadd.f32 v13, v11;
	p0 =	sne.s32 s21, $0x8;
	v9 =	vmul.f32 v9, v3;
	v63 =	vmul.f32 v10, v4  }
.Ltmp17:
0x2e0: {  	[tilespmem:s24+$0x30] =	vst v12;
	v6 =	vadd.f32 v6, v7;
	v3 =	vmul.f32 v8, v3;
	(pc) =	sbr.rel @p0 .LBB2_33-.Ltmp17, $4  }
0x2e1: {  	[tilespmem:s24+$0x40] =	vst v11;
	v4 =	vadd.f32 v63, v9  }
0x2e2: {  	[tilespmem:s24+$0x50] =	vst v6;
	v3 =	vadd.f32 v5, v3  }
0x2e3: {  	[tilespmem:s24+$0x60] =	vst v4  }
0x2e4: {  	s23 =	sadd.s32 $0x80, s23;
	[tilespmem:s24+$0x0] =	vst v3  }
0x2e5: {  	s21 =	simm.s32 $0x0;
	s23 =	rddreg [dreg:$0x6]  }
0x2e6: {  	[hbm4b:s23+s21] =	stream.linear.scatter [tilespmem:s14], [sflag:$0x8], $0x2000, $0x38;
	[tilespmem:$0x1D000] =	vst v63  }
0x2e7: {  	_ =	swait.ge [sflag:s11], $0x4000  }
0x2e8: {  	[sflag:s11] =	ssyncset.done $0x0  }
0x2e9: {  	s23 =	simm.s32 $0x5000;
	[sflag:s11] =	ssyncadd.s32 $0xFFFFC000  }
.LBB2_37:
0x2ea: {  	v3 =	vld.msk [tilespmem:s21+$0xF80 ss:$0x0], $0xffff  }
0x2eb: {  	v4 =	vld.msk [tilespmem:s21+$0xF88 ss:$0x0], $0xffff  }
0x2ec: {  	v5 =	vld [tilespmem:s23+$0x70]  }
0x2ed: {  	v6 =	vld [tilespmem:s23+$0x2070]  }
0x2ee: {  	v8 =	vld [tilespmem:s23+$0x2000]  }
0x2ef: {  	v7 =	vld [tilespmem:s23+$0x10]  }
0x2f0: {  	v9 =	vld [tilespmem:s23+$0x2010]  }
0x2f1: {  	v10 =	vld [tilespmem:s23+$0x20]  }
0x2f2: {  	v11 =	vld [tilespmem:s23+$0x2020]  }
0x2f3: {  	v12 =	vld [tilespmem:s23+$0x30]  }
0x2f4: {  	v13 =	vld [tilespmem:s23+$0x2030]  }
0x2f5: {  	v14 =	vld [tilespmem:s23+$0x40];
	v5 =	vmul.f32 v5, v3;
	v6 =	vmul.f32 v6, v4  }
0x2f6: {  	v16 =	vld [tilespmem:s23+$0x2040];
	v15 =	vmul.f32 v7, v3;
	v9 =	vmul.f32 v9, v4  }
0x2f7: {  	v10 =	vmul.f32 v10, v3;
	v11 =	vmul.f32 v11, v4;
	v7 =	vld [tilespmem:s23+$0x50];
	v5 =	vadd.f32 v6, v5  }
0x2f8: {  	v15 =	vadd.f32 v9, v15;
	v6 =	vld [tilespmem:s23+$0x2050]  }
0x2f9: {  	v12 =	vmul.f32 v12, v3;
	v13 =	vmul.f32 v13, v4;
	v17 =	vadd.f32 v11, v10;
	v9 =	vld [tilespmem:s23+$0x60];
	[tilespmem:s23+$0x70] =	vst v5  }
0x2fa: {  	v10 =	vld [tilespmem:s23+$0x2060];
	v11 =	vmul.f32 v14, v3;
	[tilespmem:s23+$0x10] =	vst v15  }
0x2fb: {  	s25 =	simm.s32 $0x0;
	s26 =	sadd.s32 $0x400, s23;
	s24 =	smov.u32 s23;
	v12 =	vadd.f32 v13, v12;
	v13 =	vmul.f32 v16, v4;
	v5 =	vmul.f32 v8, v4;
	v8 =	vld [tilespmem:s23+$0x0];
	[tilespmem:s23+$0x20] =	vst v17  }
.LBB2_38:
0x2fc: {  	v14 =	vld [tilespmem:s26+$0x70];
	v7 =	vmul.f32 v7, v3  }
0x2fd: {  	s25 =	sadd.s32 $0x8, s25;
	v15 =	vld [tilespmem:s26+$0x2070];
	[tilespmem:s24+$0x30] =	vst v12;
	v11 =	vadd.f32 v13, v11;
	v6 =	vmul.f32 v6, v4  }
0x2fe: {  	p0 =	slt.u32 s25, $0x38;
	v12 =	vld [tilespmem:s26+$0x2000];
	v9 =	vmul.f32 v9, v3  }
0x2ff: {  	v13 =	vld [tilespmem:s26+$0x10];
	[tilespmem:s24+$0x40] =	vst v11;
	v6 =	vadd.f32 v6, v7;
	v7 =	vmul.f32 v10, v4  }
0x300: {  	v10 =	vld [tilespmem:s26+$0x2010];
	v8 =	vmul.f32 v8, v3  }
0x301: {  	v11 =	vld [tilespmem:s26+$0x20];
	[tilespmem:s24+$0x50] =	vst v6;
	v6 =	vadd.f32 v7, v9  }
0x302: {  	v9 =	vmul.f32 v14, v3;
	v7 =	vld [tilespmem:s26+$0x2020];
	v14 =	vmul.f32 v15, v4;
	v8 =	vadd.f32 v5, v8  }
0x303: {  	v5 =	vmul.f32 v12, v4;
	v12 =	vld [tilespmem:s26+$0x30];
	[tilespmem:s24+$0x60] =	vst v6  }
0x304: {  	v6 =	vmul.f32 v13, v3;
	v13 =	vld [tilespmem:s26+$0x2030];
	v9 =	vadd.f32 v14, v9;
	[tilespmem:s24+$0x0] =	vst v8;
	s24 =	smov.u32 s26  }
0x305: {  	v8 =	vmul.f32 v10, v4;
	v10 =	vld [tilespmem:s26+$0x40]  }
0x306: {  	v11 =	vmul.f32 v11, v3;
	v14 =	vld [tilespmem:s26+$0x2040];
	[tilespmem:s26+$0x70] =	vst v9  }
.Ltmp18:
0x307: {  	v8 =	vadd.f32 v8, v6;
	v9 =	vmul.f32 v7, v4;
	v7 =	vld [tilespmem:s26+$0x50];
	(pc) =	sbr.rel @p0 .LBB2_38-.Ltmp18, $4  }
0x308: {  	v12 =	vmul.f32 v12, v3;
	v6 =	vld [tilespmem:s26+$0x2050]  }
0x309: {  	[tilespmem:s26+$0x10] =	vst v8;
	v15 =	vadd.f32 v9, v11;
	v13 =	vmul.f32 v13, v4;
	v9 =	vld [tilespmem:s26+$0x60]  }
0x30a: {  	v11 =	vmul.f32 v10, v3;
	v10 =	vld [tilespmem:s26+$0x2060]  }
0x30b: {  	s26 =	sadd.s32 $0x400, s26;
	v8 =	vld [tilespmem:s24+$0x0];
	[tilespmem:s24+$0x20] =	vst v15;
	v12 =	vadd.f32 v13, v12;
	v13 =	vmul.f32 v14, v4  }
0x30c: {  	_ =	sdelay $0x1  }
0x30d: {  	v7 =	vmul.f32 v7, v3;
	s21 =	sadd.s32 $0x1, s21;
	v6 =	vmul.f32 v6, v4  }
0x30e: {  	v11 =	vadd.f32 v13, v11;
	p0 =	sne.s32 s21, $0x8;
	v9 =	vmul.f32 v9, v3;
	v63 =	vmul.f32 v10, v4  }
.Ltmp19:
0x30f: {  	[tilespmem:s24+$0x30] =	vst v12;
	v6 =	vadd.f32 v6, v7;
	v3 =	vmul.f32 v8, v3;
	(pc) =	sbr.rel @p0 .LBB2_37-.Ltmp19, $4  }
0x310: {  	[tilespmem:s24+$0x40] =	vst v11;
	v4 =	vadd.f32 v63, v9  }
0x311: {  	[tilespmem:s24+$0x50] =	vst v6;
	v3 =	vadd.f32 v5, v3  }
0x312: {  	[tilespmem:s24+$0x60] =	vst v4  }
0x313: {  	s23 =	sadd.s32 $0x80, s23;
	[tilespmem:s24+$0x0] =	vst v3  }
0x314: {  	s21 =	rddreg [dreg:$0x7];
	s26 =	simm.s32 $0xA  }
0x315: {  	[hbm4b:s21+s3] =	stream.linear.scatter [tilespmem:s22], [sflag:$0x9], $0x2000, $0x38;
	[tilespmem:$0x1D000] =	vst v63  }
0x316: {  	_ =	swait.ge [sflag:s26], $0x2000  }
0x317: {  	[sflag:s26] =	ssyncset.done $0x0  }
0x318: {  	s28 =	simm.s32 $0xB;
	[sflag:s26] =	ssyncadd.s32 $0xFFFFE000  }
0x319: {  	_ =	swait.ge [sflag:s28], $0x2000  }
0x31a: {  	[sflag:s28] =	ssyncset.done $0x0  }
0x31b: {  	s29 =	simm.s32 $0xC;
	[sflag:s28] =	ssyncadd.s32 $0xFFFFE000  }
0x31c: {  	_ =	swait.ge [sflag:s29], $0x2000  }
0x31d: {  	[sflag:s29] =	ssyncset.done $0x0  }
0x31e: {  	s30 =	simm.s32 $0xD;
	[sflag:s29] =	ssyncadd.s32 $0xFFFFE000  }
0x31f: {  	_ =	swait.ge [sflag:s30], $0x2000  }
0x320: {  	[sflag:s30] =	ssyncset.done $0x0  }
0x321: {  	[sflag:s30] =	ssyncadd.s32 $0xFFFFE000  }
0x322: {  	_ =	swait.ge [sflag:s20], $0x2000  }
0x323: {  	[sflag:s20] =	ssyncset.done $0x0  }
0x324: {  	[sflag:s20] =	ssyncadd.s32 $0xFFFFE000  }
0x325: {  	_ =	swait.ge [sflag:s10], $0x2000  }
0x326: {  	[sflag:s10] =	ssyncset.done $0x0  }
0x327: {  	[sflag:s10] =	ssyncadd.s32 $0xFFFFE000  }
0x328: {  	_ =	swait.ge [sflag:s15], $0x2000  }
0x329: {  	s23 =	rddreg [dreg:$0x9]  }
0x32a: {  	s31 =	rddreg [dreg:$0x8];
	s23 =	sadd.s32 $0x1, s23  }
0x32b: {  	p0 =	sne.s32 s23, s31  }
.Ltmp20:
0x32c: {  	_ = 	snop;
	(pc) =	sbr.rel @p0 .LBB2_1-.Ltmp20, $3  }
0x32d: {  	_ =	sdelay $0x1  }
0x32e: {  	[sflag:s15] =	ssyncset.done $0x0  }
0x32f: {  	[sflag:s15] =	ssyncadd.s32 $0xFFFFE000  }
0x330: {  	_ =	sfence.sel $0x180000  }
0x331: {  	[bflag:$0x0] =	sbarrier.arrive $0xFFFF  }
0x332: {  	_ =	strace $0x90000047  }
0x333: {  	s0 =	stileid.u32;
	[bflag:$0x2] =	sbarrier.arrive $0xFFFF  }
0x334: {  	p0 =	sne.s32 s0, $0x0;
	s0 =	rddreg [dreg:$0x3]  }
0x335: {  	s0 =	sadd.s32 @!p0 $0x100000, s0  }
0x336: {  	[sflag:s0] =	ssyncadd.tile.s32 @!p0 $0x1;
	_ =	shalt  }
.Lfunc_end2:
_tile_overlayer_lowered:
.L_overlay_start_2:
0x337: {  	(tag) =	ssettag $0x2  }
0x338: {  	s0 =	rddreg [dreg:$0x0];
	s2 =	stileid.u32  }
0x339: {  	s1 =	rddreg [dreg:$0x1];
	p0 =	sne.s32 s2, $0x0  }
0x33a: {  	s3 =	rddreg [dreg:$0x2];
	[bflag:$0x3] =	sbarrier.arrive $0xFFFF;
	s2 =	simm.s32 @!p0 $0x1C0F  }
0x33b: {  	[timem:s3], [sflag:s2] =	dma.local @!p0 [hbm:s0], s1  }
0x33c: {  	s0 =	simm.s32 @!p0 $0xF  }
0x33d: {  	_ =	swait.ge @!p0 [sflag:s0], s1  }
0x33e: {  	s1 =	ssub.s32 @!p0 $0x0, s1;
	[sflag:s0] =	ssyncset.done @!p0 $0x0  }
0x33f: {  	[sflag:s0] =	ssyncadd.s32 @!p0 s1  }
0x340: {  	[bflag:$0x3] =	sbarrier.arrive $0xFFFF  }
0x341: {  	_ =	shalt  }

</sc_bundles>
